<compile_context>
chip_gen: v7x
topology: tpu7x:2x2x1
jax: 0.10.2.dev20260603
libtpu: 0.0.44.dev20260713+nightly
codegen_flags: <defaults>
</compile_context>

<pallas_src>
import functools

import numpy as np
import jax
import jax.numpy as jnp
from jax import lax
from jax.experimental import pallas as pl
from jax.experimental.pallas import tpu as pltpu
from jax.experimental.pallas import tpu_sc as plsc

_NW = 32
_LN = 16
_CH = 23296
_NCH = 3
_SC_N = _NW * _NCH * _CH

_LANES = 128
_ROW_BLOCK = 2184

_E_LO = 64
_E_HI = 128
_TBL = (_E_HI - _E_LO) << 7


def _make_tables():
    j = np.arange(_TBL, dtype=np.int64) + (_E_LO << 7)
    r = (j.astype(np.uint32) << np.uint32(16)).view(np.float32).astype(np.float64)
    logr = np.log(r).astype(np.float32)
    invr = (1.0 / r).astype(np.float32)
    return jnp.asarray(np.concatenate([logr, invr]))


def _make_sc_call():
    per_w = _NCH * _CH
    mesh = plsc.VectorSubcoreMesh(core_axis_name="c", subcore_axis_name="s")

    @functools.partial(
        pl.kernel,
        mesh=mesh,
        compiler_params=pltpu.CompilerParams(needs_layout_passes=False),
        out_type=jax.ShapeDtypeStruct((_NW, _LN), jnp.float32),
        scratch_types=[
            pltpu.VMEM((_CH,), jnp.float32),
            pltpu.VMEM((_CH,), jnp.float32),
            pltpu.VMEM((_CH,), jnp.float32),
            pltpu.VMEM((_CH,), jnp.float32),
            pltpu.VMEM((2 * _TBL,), jnp.float32),
            pltpu.VMEM((_LN,), jnp.float32),
            pltpu.SemaphoreType.DMA,
            pltpu.SemaphoreType.DMA,
            pltpu.SemaphoreType.DMA,
            pltpu.SemaphoreType.DMA,
        ],
    )
    def sc_call(a_hbm, adv_hbm, tbl_hbm, out_hbm,
                a0, a1, w0, w1, tbl_v, acc_v, s0, s1, s2, s3):
        wid = lax.axis_index("s") * 2 + lax.axis_index("c")
        base = wid * per_w
        a_bufs, w_bufs = (a0, a1), (w0, w1)
        a_sems, w_sems = (s0, s1), (s2, s3)

        pltpu.sync_copy(tbl_hbm, tbl_v)

        def start(c, b):
            off = base + c * _CH
            da = pltpu.async_copy(a_hbm.at[pl.ds(off, _CH)], a_bufs[b], a_sems[b])
            dw = pltpu.async_copy(adv_hbm.at[pl.ds(off, _CH)], w_bufs[b], w_sems[b])
            return da, dw

        def one(ab, wb, off, acc):
            av = ab[pl.ds(off, _LN)]
            wv = wb[pl.ds(off, _LN)]
            xi = lax.bitcast_convert_type(av, jnp.int32)
            idx = (xi >> 16) - (_E_LO << 7)
            idx = jnp.minimum(jnp.maximum(idx, 0), _TBL - 1)
            logr = plsc.load_gather(tbl_v, [idx])
            invr = plsc.load_gather(tbl_v, [idx + _TBL])
            f = av * invr - 1.0
            lg = logr + (f - 0.5 * (f * f))
            return acc + lg * wv

        def chunk_sum(b, accs):
            ab, wb = a_bufs[b], w_bufs[b]

            def body(j, accs):
                a0c, a1c = accs
                base4 = j * (4 * _LN)
                a0c = one(ab, wb, base4, a0c)
                a1c = one(ab, wb, base4 + _LN, a1c)
                a0c = one(ab, wb, base4 + 2 * _LN, a0c)
                a1c = one(ab, wb, base4 + 3 * _LN, a1c)
                return (a0c, a1c)

            return lax.fori_loop(0, _CH // (4 * _LN), body, accs)

        accs = (jnp.zeros((_LN,), jnp.float32), jnp.zeros((_LN,), jnp.float32))
        pend = start(0, 0)
        for c in range(_NCH):
            nxt = start(c + 1, (c + 1) % 2) if c + 1 < _NCH else None
            pend[0].wait()
            pend[1].wait()
            accs = chunk_sum(c % 2, accs)
            pend = nxt
        acc_v[...] = accs[0] + accs[1]
        pltpu.sync_copy(acc_v, out_hbm.at[wid])

    return sc_call


def _tc_body(a_ref, adv_ref, out_ref):
    i = pl.program_id(0)

    @pl.when(i == 0)
    def _init():
        out_ref[0, 0] = 0.0

    out_ref[0, 0] += jnp.sum(jnp.log(a_ref[...]) * adv_ref[...])


def kernel(actions_logits, advantages, lengths):
    n = actions_logits.shape[0]
    b = lengths.shape[0]
    rows = n // _LANES
    sc_rows = _SC_N // _LANES
    tc_rows = rows - sc_rows
    grid = tc_rows // _ROW_BLOCK
    blk0 = sc_rows // _ROW_BLOCK

    tbl = _make_tables()
    sc_partials = _make_sc_call()(actions_logits, advantages, tbl)

    a2 = actions_logits.reshape(rows, _LANES)
    adv2 = advantages.reshape(rows, _LANES)
    tc_total = pl.pallas_call(
        _tc_body,
        grid=(grid,),
        in_specs=[
            pl.BlockSpec((_ROW_BLOCK, _LANES), lambda i: (i + blk0, 0)),
            pl.BlockSpec((_ROW_BLOCK, _LANES), lambda i: (i + blk0, 0)),
        ],
        out_specs=pl.BlockSpec(
            (1, 1), lambda i: (0, 0), memory_space=pltpu.SMEM
        ),
        out_shape=jax.ShapeDtypeStruct((1, 1), jnp.float32),
    )(a2, adv2)

    total = jnp.sum(sc_partials) + tc_total[0, 0]
    return (total / b).astype(jnp.float32)

# --- scband reference (transcript-rebuilt; emitter-appended) ---
"""Pipeline reference for scband-policy-loss-59124519797413 (READ-ONLY COPY).

The authoritative reference and input builder live on the scoring server;
editing this copy changes nothing except your own understanding.
"""

import jax, jax.numpy as jnp
import numpy as np

B = 4096
N = B * (B - 1) // 2  # sum(arange(B)) = 8386560, must equal len(actions_logits)


def setup_inputs(seed: int = 0) -> dict:
    key = jax.random.key(seed)
    k1, k2 = jax.random.split(key)
    # actions_logits must be positive since the module applies log()
    actions_logits = jax.random.uniform(k1, (N,), dtype=jnp.float32, minval=1e-4, maxval=1.0)
    advantages = jax.random.normal(k2, (N,), dtype=jnp.float32)
    # lengths = arange(B) so that sum(lengths) == N exactly (ragged episode lengths)
    lengths = jnp.arange(B, dtype=jnp.int32)
    return {"actions_logits": actions_logits, "advantages": advantages, "lengths": lengths}


def reference(actions_logits, advantages, lengths):
    log_probs = jnp.log(actions_logits)
    grads = log_probs * advantages
    num_segments = lengths.shape[0]
    # torch.repeat_interleave(arange(len(lengths)), lengths)
    eps_ids = jnp.repeat(jnp.arange(num_segments), lengths, total_repeat_length=grads.shape[0])
    # out.index_add(0, eps_ids, grads) == scatter-add == segment_sum
    out = jax.ops.segment_sum(grads, eps_ids, num_segments=num_segments)
    return jnp.mean(out)

if __name__ == "__main__":
    import jax
    _d = setup_inputs()
    print(jax.jit(kernel)(*tuple(_d.values())))

</pallas_src>

<mosaic_0001>
#map = affine_map<(d0, d1) -> (0)>
#map1 = affine_map<(d0, d1) -> (0, 0)>
module attributes {stable_mosaic.version = 14 : i64} {
  func.func @sc_call(%arg0: i32, %arg1: i32, %arg2: memref<8386560xf32, #tpu.memory_space<hbm>>, %arg3: memref<8386560xf32, #tpu.memory_space<hbm>>, %arg4: memref<16384xf32, #tpu.memory_space<hbm>>, %arg5: memref<32x16xf32, #tpu.memory_space<hbm>>, %arg6: memref<23296xf32, #tpu.memory_space<vmem>>, %arg7: memref<23296xf32, #tpu.memory_space<vmem>>, %arg8: memref<23296xf32, #tpu.memory_space<vmem>>, %arg9: memref<23296xf32, #tpu.memory_space<vmem>>, %arg10: memref<16384xf32, #tpu.memory_space<vmem>>, %arg11: memref<16xf32, #tpu.memory_space<vmem>>, %arg12: memref<!tpu.dma_semaphore, #tpu.memory_space<semaphore_mem>>, %arg13: memref<!tpu.dma_semaphore, #tpu.memory_space<semaphore_mem>>, %arg14: memref<!tpu.dma_semaphore, #tpu.memory_space<semaphore_mem>>, %arg15: memref<!tpu.dma_semaphore, #tpu.memory_space<semaphore_mem>>) attributes {dimension_semantics = [#tpu.dimension_semantics<core_parallel>, #tpu.dimension_semantics<subcore_parallel>], iteration_bounds = array<i64: 2, 16>, scalar_prefetch = 0 : i64, scratch_operands = 10 : i64, tpu.core_type = #tpu.core_type<sc_vector_subcore>, window_params = [{transform_indices = #map}, {transform_indices = #map}, {transform_indices = #map}, {transform_indices = #map1}]} {
    %mul3A = arith.constant 2 : i32
    %mul3A_0 = arith.muli %arg1, %mul3A : i32
    %add3A = arith.addi %mul3A_0, %arg0 : i32
    %mul3A_1 = arith.constant 69888 : i32
    %mul3A_2 = arith.muli %add3A, %mul3A_1 : i32
    "tpu.region"() ({
      %run_scoped3A = tpu.sem_alloc : memref<!tpu.dma_semaphore, #tpu.memory_space<semaphore_mem>>
      tpu.enqueue_dma source(%arg4 : memref<16384xf32, #tpu.memory_space<hbm>>) target(%arg10 : memref<16384xf32, #tpu.memory_space<vmem>>) target_semaphore(%run_scoped3A : memref<!tpu.dma_semaphore, #tpu.memory_space<semaphore_mem>>)
      tpu.wait_dma2 semaphore(%run_scoped3A : memref<!tpu.dma_semaphore, #tpu.memory_space<semaphore_mem>>) src(%arg4 : memref<16384xf32, #tpu.memory_space<hbm>>) dst(%arg10 : memref<16384xf32, #tpu.memory_space<vmem>>)
      tpu.yield
    }) : () -> ()
    %broadcast_in_dim3A = arith.constant 0.000000e+00 : f32
    %broadcast_in_dim3A_3 = vector.broadcast %broadcast_in_dim3A : f32 to vector<16xf32>
    %broadcast_in_dim3A_4 = arith.constant 0.000000e+00 : f32
    %broadcast_in_dim3A_5 = vector.broadcast %broadcast_in_dim3A_4 : f32 to vector<16xf32>
    %add3A_6 = arith.constant 0 : i32
    %add3A_7 = arith.addi %mul3A_2, %add3A_6 : i32
    %dma_start3A = tpu.memref_slice %arg2[%add3A_7] : memref<8386560xf32, #tpu.memory_space<hbm>> -> memref<23296xf32, #tpu.memory_space<hbm>>
    %dma_start3A_8 = tpu.memref_slice %arg2[%add3A_7] : memref<8386560xf32, #tpu.memory_space<hbm>> -> memref<23296xf32, #tpu.memory_space<hbm>>
    tpu.enqueue_dma source(%dma_start3A_8 : memref<23296xf32, #tpu.memory_space<hbm>>) target(%arg6 : memref<23296xf32, #tpu.memory_space<vmem>>) target_semaphore(%arg12 : memref<!tpu.dma_semaphore, #tpu.memory_space<semaphore_mem>>)
    %dma_start3A_9 = tpu.memref_slice %arg3[%add3A_7] : memref<8386560xf32, #tpu.memory_space<hbm>> -> memref<23296xf32, #tpu.memory_space<hbm>>
    %dma_start3A_10 = tpu.memref_slice %arg3[%add3A_7] : memref<8386560xf32, #tpu.memory_space<hbm>> -> memref<23296xf32, #tpu.memory_space<hbm>>
    tpu.enqueue_dma source(%dma_start3A_10 : memref<23296xf32, #tpu.memory_space<hbm>>) target(%arg8 : memref<23296xf32, #tpu.memory_space<vmem>>) target_semaphore(%arg14 : memref<!tpu.dma_semaphore, #tpu.memory_space<semaphore_mem>>)
    %add3A_11 = arith.constant 23296 : i32
    %add3A_12 = arith.addi %mul3A_2, %add3A_11 : i32
    %dma_start3A_13 = tpu.memref_slice %arg2[%add3A_12] : memref<8386560xf32, #tpu.memory_space<hbm>> -> memref<23296xf32, #tpu.memory_space<hbm>>
    %dma_start3A_14 = tpu.memref_slice %arg2[%add3A_12] : memref<8386560xf32, #tpu.memory_space<hbm>> -> memref<23296xf32, #tpu.memory_space<hbm>>
    tpu.enqueue_dma source(%dma_start3A_14 : memref<23296xf32, #tpu.memory_space<hbm>>) target(%arg7 : memref<23296xf32, #tpu.memory_space<vmem>>) target_semaphore(%arg13 : memref<!tpu.dma_semaphore, #tpu.memory_space<semaphore_mem>>)
    %dma_start3A_15 = tpu.memref_slice %arg3[%add3A_12] : memref<8386560xf32, #tpu.memory_space<hbm>> -> memref<23296xf32, #tpu.memory_space<hbm>>
    %dma_start3A_16 = tpu.memref_slice %arg3[%add3A_12] : memref<8386560xf32, #tpu.memory_space<hbm>> -> memref<23296xf32, #tpu.memory_space<hbm>>
    tpu.enqueue_dma source(%dma_start3A_16 : memref<23296xf32, #tpu.memory_space<hbm>>) target(%arg9 : memref<23296xf32, #tpu.memory_space<vmem>>) target_semaphore(%arg15 : memref<!tpu.dma_semaphore, #tpu.memory_space<semaphore_mem>>)
    %dma_wait3A = tpu.memref_slice %arg2[%add3A_7] : memref<8386560xf32, #tpu.memory_space<hbm>> -> memref<23296xf32, #tpu.memory_space<hbm>>
    %dma_wait3A_17 = tpu.memref_slice %arg2[%add3A_7] : memref<8386560xf32, #tpu.memory_space<hbm>> -> memref<23296xf32, #tpu.memory_space<hbm>>
    tpu.wait_dma2 semaphore(%arg12 : memref<!tpu.dma_semaphore, #tpu.memory_space<semaphore_mem>>) src(%dma_wait3A_17 : memref<23296xf32, #tpu.memory_space<hbm>>) dst(%arg6 : memref<23296xf32, #tpu.memory_space<vmem>>)
    %dma_wait3A_18 = tpu.memref_slice %arg3[%add3A_7] : memref<8386560xf32, #tpu.memory_space<hbm>> -> memref<23296xf32, #tpu.memory_space<hbm>>
    %dma_wait3A_19 = tpu.memref_slice %arg3[%add3A_7] : memref<8386560xf32, #tpu.memory_space<hbm>> -> memref<23296xf32, #tpu.memory_space<hbm>>
    tpu.wait_dma2 semaphore(%arg14 : memref<!tpu.dma_semaphore, #tpu.memory_space<semaphore_mem>>) src(%dma_wait3A_19 : memref<23296xf32, #tpu.memory_space<hbm>>) dst(%arg8 : memref<23296xf32, #tpu.memory_space<vmem>>)
    %scan3A = arith.constant 0 : i32
    %scan3A_20 = arith.constant 364 : i32
    %scan3A_21 = arith.addi %scan3A, %scan3A_20 : i32
    %scan3A_22 = arith.constant 1 : i32
    %scan3A_23:2 = scf.for %scan3A_53 = %scan3A to %scan3A_21 step %scan3A_22 iter_args(%scan3A_54 = %broadcast_in_dim3A_3, %scan3A_55 = %broadcast_in_dim3A_5) -> (vector<16xf32>, vector<16xf32>)  : i32 {
      %mul3A_56 = arith.constant 64 : i32
      %mul3A_57 = arith.muli %scan3A_53, %mul3A_56 : i32
      %get3A = arith.index_cast %mul3A_57 : i32 to index
      %get3A_58 = tpu.vector_load %arg6[%get3A] {strides = array<i32>} : memref<23296xf32, #tpu.memory_space<vmem>>, vector<16xf32>,
      %get3A_59 = arith.index_cast %mul3A_57 : i32 to index
      %get3A_60 = tpu.vector_load %arg8[%get3A_59] {strides = array<i32>} : memref<23296xf32, #tpu.memory_space<vmem>>, vector<16xf32>,
      %bitcast_convert_type3A = tpu.bitcast %get3A_58 : vector<16xf32> -> vector<16xi32>
      %shift_right_arithmetic3A = arith.constant 16 : i32
      %shift_right_arithmetic3A_61 = vector.broadcast %shift_right_arithmetic3A : i32 to vector<16xi32>
      %shift_right_arithmetic3A_62 = arith.shrsi %bitcast_convert_type3A, %shift_right_arithmetic3A_61 : vector<16xi32>
      %sub3A = arith.constant 8192 : i32
      %sub3A_63 = vector.broadcast %sub3A : i32 to vector<16xi32>
      %sub3A_64 = arith.subi %shift_right_arithmetic3A_62, %sub3A_63 : vector<16xi32>
      %max3A = arith.constant 0 : i32
      %max3A_65 = vector.broadcast %max3A : i32 to vector<16xi32>
      %max3A_66 = arith.maxsi %sub3A_64, %max3A_65 : vector<16xi32>
      %min3A = arith.constant 8191 : i32
      %min3A_67 = vector.broadcast %min3A : i32 to vector<16xi32>
      %min3A_68 = arith.minsi %max3A_66, %min3A_67 : vector<16xi32>
      %gather3A = tpu.vector_load_idx %arg10[%min3A_68] : memref<16384xf32, #tpu.memory_space<vmem>>[vector<16xi32>], vector<16xf32>,
      %add3A_69 = arith.constant 8192 : i32
      %add3A_70 = vector.broadcast %add3A_69 : i32 to vector<16xi32>
      %add3A_71 = arith.addi %min3A_68, %add3A_70 : vector<16xi32>
      %gather3A_72 = tpu.vector_load_idx %arg10[%add3A_71] : memref<16384xf32, #tpu.memory_space<vmem>>[vector<16xi32>], vector<16xf32>,
      %mul3A_73 = arith.mulf %get3A_58, %gather3A_72 : vector<16xf32>
      %sub3A_74 = arith.constant 1.000000e+00 : f32
      %sub3A_75 = vector.broadcast %sub3A_74 : f32 to vector<16xf32>
      %sub3A_76 = arith.subf %mul3A_73, %sub3A_75 : vector<16xf32>
      %mul3A_77 = arith.mulf %sub3A_76, %sub3A_76 : vector<16xf32>
      %mul3A_78 = arith.constant 5.000000e-01 : f32
      %mul3A_79 = vector.broadcast %mul3A_78 : f32 to vector<16xf32>
      %mul3A_80 = arith.mulf %mul3A_79, %mul3A_77 : vector<16xf32>
      %sub3A_81 = arith.subf %sub3A_76, %mul3A_80 : vector<16xf32>
      %add3A_82 = arith.addf %gather3A, %sub3A_81 : vector<16xf32>
      %mul3A_83 = arith.mulf %add3A_82, %get3A_60 : vector<16xf32>
      %add3A_84 = arith.addf %scan3A_54, %mul3A_83 : vector<16xf32>
      %add3A_85 = arith.constant 16 : i32
      %add3A_86 = arith.addi %mul3A_57, %add3A_85 : i32
      %get3A_87 = arith.index_cast %add3A_86 : i32 to index
      %get3A_88 = tpu.vector_load %arg6[%get3A_87] {strides = array<i32>} : memref<23296xf32, #tpu.memory_space<vmem>>, vector<16xf32>,
      %get3A_89 = arith.index_cast %add3A_86 : i32 to index
      %get3A_90 = tpu.vector_load %arg8[%get3A_89] {strides = array<i32>} : memref<23296xf32, #tpu.memory_space<vmem>>, vector<16xf32>,
      %bitcast_convert_type3A_91 = tpu.bitcast %get3A_88 : vector<16xf32> -> vector<16xi32>
      %shift_right_arithmetic3A_92 = arith.constant 16 : i32
      %shift_right_arithmetic3A_93 = vector.broadcast %shift_right_arithmetic3A_92 : i32 to vector<16xi32>
      %shift_right_arithmetic3A_94 = arith.shrsi %bitcast_convert_type3A_91, %shift_right_arithmetic3A_93 : vector<16xi32>
      %sub3A_95 = arith.constant 8192 : i32
      %sub3A_96 = vector.broadcast %sub3A_95 : i32 to vector<16xi32>
      %sub3A_97 = arith.subi %shift_right_arithmetic3A_94, %sub3A_96 : vector<16xi32>
      %max3A_98 = arith.constant 0 : i32
      %max3A_99 = vector.broadcast %max3A_98 : i32 to vector<16xi32>
      %max3A_100 = arith.maxsi %sub3A_97, %max3A_99 : vector<16xi32>
      %min3A_101 = arith.constant 8191 : i32
      %min3A_102 = vector.broadcast %min3A_101 : i32 to vector<16xi32>
      %min3A_103 = arith.minsi %max3A_100, %min3A_102 : vector<16xi32>
      %gather3A_104 = tpu.vector_load_idx %arg10[%min3A_103] : memref<16384xf32, #tpu.memory_space<vmem>>[vector<16xi32>], vector<16xf32>,
      %add3A_105 = arith.constant 8192 : i32
      %add3A_106 = vector.broadcast %add3A_105 : i32 to vector<16xi32>
      %add3A_107 = arith.addi %min3A_103, %add3A_106 : vector<16xi32>
      %gather3A_108 = tpu.vector_load_idx %arg10[%add3A_107] : memref<16384xf32, #tpu.memory_space<vmem>>[vector<16xi32>], vector<16xf32>,
      %mul3A_109 = arith.mulf %get3A_88, %gather3A_108 : vector<16xf32>
      %sub3A_110 = arith.constant 1.000000e+00 : f32
      %sub3A_111 = vector.broadcast %sub3A_110 : f32 to vector<16xf32>
      %sub3A_112 = arith.subf %mul3A_109, %sub3A_111 : vector<16xf32>
      %mul3A_113 = arith.mulf %sub3A_112, %sub3A_112 : vector<16xf32>
      %mul3A_114 = arith.constant 5.000000e-01 : f32
      %mul3A_115 = vector.broadcast %mul3A_114 : f32 to vector<16xf32>
      %mul3A_116 = arith.mulf %mul3A_115, %mul3A_113 : vector<16xf32>
      %sub3A_117 = arith.subf %sub3A_112, %mul3A_116 : vector<16xf32>
      %add3A_118 = arith.addf %gather3A_104, %sub3A_117 : vector<16xf32>
      %mul3A_119 = arith.mulf %add3A_118, %get3A_90 : vector<16xf32>
      %add3A_120 = arith.addf %scan3A_55, %mul3A_119 : vector<16xf32>
      %add3A_121 = arith.constant 32 : i32
      %add3A_122 = arith.addi %mul3A_57, %add3A_121 : i32
      %get3A_123 = arith.index_cast %add3A_122 : i32 to index
      %get3A_124 = tpu.vector_load %arg6[%get3A_123] {strides = array<i32>} : memref<23296xf32, #tpu.memory_space<vmem>>, vector<16xf32>,
      %get3A_125 = arith.index_cast %add3A_122 : i32 to index
      %get3A_126 = tpu.vector_load %arg8[%get3A_125] {strides = array<i32>} : memref<23296xf32, #tpu.memory_space<vmem>>, vector<16xf32>,
      %bitcast_convert_type3A_127 = tpu.bitcast %get3A_124 : vector<16xf32> -> vector<16xi32>
      %shift_right_arithmetic3A_128 = arith.constant 16 : i32
      %shift_right_arithmetic3A_129 = vector.broadcast %shift_right_arithmetic3A_128 : i32 to vector<16xi32>
      %shift_right_arithmetic3A_130 = arith.shrsi %bitcast_convert_type3A_127, %shift_right_arithmetic3A_129 : vector<16xi32>
      %sub3A_131 = arith.constant 8192 : i32
      %sub3A_132 = vector.broadcast %sub3A_131 : i32 to vector<16xi32>
      %sub3A_133 = arith.subi %shift_right_arithmetic3A_130, %sub3A_132 : vector<16xi32>
      %max3A_134 = arith.constant 0 : i32
      %max3A_135 = vector.broadcast %max3A_134 : i32 to vector<16xi32>
      %max3A_136 = arith.maxsi %sub3A_133, %max3A_135 : vector<16xi32>
      %min3A_137 = arith.constant 8191 : i32
      %min3A_138 = vector.broadcast %min3A_137 : i32 to vector<16xi32>
      %min3A_139 = arith.minsi %max3A_136, %min3A_138 : vector<16xi32>
      %gather3A_140 = tpu.vector_load_idx %arg10[%min3A_139] : memref<16384xf32, #tpu.memory_space<vmem>>[vector<16xi32>], vector<16xf32>,
      %add3A_141 = arith.constant 8192 : i32
      %add3A_142 = vector.broadcast %add3A_141 : i32 to vector<16xi32>
      %add3A_143 = arith.addi %min3A_139, %add3A_142 : vector<16xi32>
      %gather3A_144 = tpu.vector_load_idx %arg10[%add3A_143] : memref<16384xf32, #tpu.memory_space<vmem>>[vector<16xi32>], vector<16xf32>,
      %mul3A_145 = arith.mulf %get3A_124, %gather3A_144 : vector<16xf32>
      %sub3A_146 = arith.constant 1.000000e+00 : f32
      %sub3A_147 = vector.broadcast %sub3A_146 : f32 to vector<16xf32>
      %sub3A_148 = arith.subf %mul3A_145, %sub3A_147 : vector<16xf32>
      %mul3A_149 = arith.mulf %sub3A_148, %sub3A_148 : vector<16xf32>
      %mul3A_150 = arith.constant 5.000000e-01 : f32
      %mul3A_151 = vector.broadcast %mul3A_150 : f32 to vector<16xf32>
      %mul3A_152 = arith.mulf %mul3A_151, %mul3A_149 : vector<16xf32>
      %sub3A_153 = arith.subf %sub3A_148, %mul3A_152 : vector<16xf32>
      %add3A_154 = arith.addf %gather3A_140, %sub3A_153 : vector<16xf32>
      %mul3A_155 = arith.mulf %add3A_154, %get3A_126 : vector<16xf32>
      %add3A_156 = arith.addf %add3A_84, %mul3A_155 : vector<16xf32>
      %add3A_157 = arith.constant 48 : i32
      %add3A_158 = arith.addi %mul3A_57, %add3A_157 : i32
      %get3A_159 = arith.index_cast %add3A_158 : i32 to index
      %get3A_160 = tpu.vector_load %arg6[%get3A_159] {strides = array<i32>} : memref<23296xf32, #tpu.memory_space<vmem>>, vector<16xf32>,
      %get3A_161 = arith.index_cast %add3A_158 : i32 to index
      %get3A_162 = tpu.vector_load %arg8[%get3A_161] {strides = array<i32>} : memref<23296xf32, #tpu.memory_space<vmem>>, vector<16xf32>,
      %bitcast_convert_type3A_163 = tpu.bitcast %get3A_160 : vector<16xf32> -> vector<16xi32>
      %shift_right_arithmetic3A_164 = arith.constant 16 : i32
      %shift_right_arithmetic3A_165 = vector.broadcast %shift_right_arithmetic3A_164 : i32 to vector<16xi32>
      %shift_right_arithmetic3A_166 = arith.shrsi %bitcast_convert_type3A_163, %shift_right_arithmetic3A_165 : vector<16xi32>
      %sub3A_167 = arith.constant 8192 : i32
      %sub3A_168 = vector.broadcast %sub3A_167 : i32 to vector<16xi32>
      %sub3A_169 = arith.subi %shift_right_arithmetic3A_166, %sub3A_168 : vector<16xi32>
      %max3A_170 = arith.constant 0 : i32
      %max3A_171 = vector.broadcast %max3A_170 : i32 to vector<16xi32>
      %max3A_172 = arith.maxsi %sub3A_169, %max3A_171 : vector<16xi32>
      %min3A_173 = arith.constant 8191 : i32
      %min3A_174 = vector.broadcast %min3A_173 : i32 to vector<16xi32>
      %min3A_175 = arith.minsi %max3A_172, %min3A_174 : vector<16xi32>
      %gather3A_176 = tpu.vector_load_idx %arg10[%min3A_175] : memref<16384xf32, #tpu.memory_space<vmem>>[vector<16xi32>], vector<16xf32>,
      %add3A_177 = arith.constant 8192 : i32
      %add3A_178 = vector.broadcast %add3A_177 : i32 to vector<16xi32>
      %add3A_179 = arith.addi %min3A_175, %add3A_178 : vector<16xi32>
      %gather3A_180 = tpu.vector_load_idx %arg10[%add3A_179] : memref<16384xf32, #tpu.memory_space<vmem>>[vector<16xi32>], vector<16xf32>,
      %mul3A_181 = arith.mulf %get3A_160, %gather3A_180 : vector<16xf32>
      %sub3A_182 = arith.constant 1.000000e+00 : f32
      %sub3A_183 = vector.broadcast %sub3A_182 : f32 to vector<16xf32>
      %sub3A_184 = arith.subf %mul3A_181, %sub3A_183 : vector<16xf32>
      %mul3A_185 = arith.mulf %sub3A_184, %sub3A_184 : vector<16xf32>
      %mul3A_186 = arith.constant 5.000000e-01 : f32
      %mul3A_187 = vector.broadcast %mul3A_186 : f32 to vector<16xf32>
      %mul3A_188 = arith.mulf %mul3A_187, %mul3A_185 : vector<16xf32>
      %sub3A_189 = arith.subf %sub3A_184, %mul3A_188 : vector<16xf32>
      %add3A_190 = arith.addf %gather3A_176, %sub3A_189 : vector<16xf32>
      %mul3A_191 = arith.mulf %add3A_190, %get3A_162 : vector<16xf32>
      %add3A_192 = arith.addf %add3A_120, %mul3A_191 : vector<16xf32>
      scf.yield %add3A_156, %add3A_192 : vector<16xf32>, vector<16xf32>
    }
    %scan3A_24 = arith.constant 364 : i32
    %add3A_25 = arith.constant 46592 : i32
    %add3A_26 = arith.addi %mul3A_2, %add3A_25 : i32
    %dma_start3A_27 = tpu.memref_slice %arg2[%add3A_26] : memref<8386560xf32, #tpu.memory_space<hbm>> -> memref<23296xf32, #tpu.memory_space<hbm>>
    %dma_start3A_28 = tpu.memref_slice %arg2[%add3A_26] : memref<8386560xf32, #tpu.memory_space<hbm>> -> memref<23296xf32, #tpu.memory_space<hbm>>
    tpu.enqueue_dma source(%dma_start3A_28 : memref<23296xf32, #tpu.memory_space<hbm>>) target(%arg6 : memref<23296xf32, #tpu.memory_space<vmem>>) target_semaphore(%arg12 : memref<!tpu.dma_semaphore, #tpu.memory_space<semaphore_mem>>)
    %dma_start3A_29 = tpu.memref_slice %arg3[%add3A_26] : memref<8386560xf32, #tpu.memory_space<hbm>> -> memref<23296xf32, #tpu.memory_space<hbm>>
    %dma_start3A_30 = tpu.memref_slice %arg3[%add3A_26] : memref<8386560xf32, #tpu.memory_space<hbm>> -> memref<23296xf32, #tpu.memory_space<hbm>>
    tpu.enqueue_dma source(%dma_start3A_30 : memref<23296xf32, #tpu.memory_space<hbm>>) target(%arg8 : memref<23296xf32, #tpu.memory_space<vmem>>) target_semaphore(%arg14 : memref<!tpu.dma_semaphore, #tpu.memory_space<semaphore_mem>>)
    %dma_wait3A_31 = tpu.memref_slice %arg2[%add3A_12] : memref<8386560xf32, #tpu.memory_space<hbm>> -> memref<23296xf32, #tpu.memory_space<hbm>>
    %dma_wait3A_32 = tpu.memref_slice %arg2[%add3A_12] : memref<8386560xf32, #tpu.memory_space<hbm>> -> memref<23296xf32, #tpu.memory_space<hbm>>
    tpu.wait_dma2 semaphore(%arg13 : memref<!tpu.dma_semaphore, #tpu.memory_space<semaphore_mem>>) src(%dma_wait3A_32 : memref<23296xf32, #tpu.memory_space<hbm>>) dst(%arg7 : memref<23296xf32, #tpu.memory_space<vmem>>)
    %dma_wait3A_33 = tpu.memref_slice %arg3[%add3A_12] : memref<8386560xf32, #tpu.memory_space<hbm>> -> memref<23296xf32, #tpu.memory_space<hbm>>
    %dma_wait3A_34 = tpu.memref_slice %arg3[%add3A_12] : memref<8386560xf32, #tpu.memory_space<hbm>> -> memref<23296xf32, #tpu.memory_space<hbm>>
    tpu.wait_dma2 semaphore(%arg15 : memref<!tpu.dma_semaphore, #tpu.memory_space<semaphore_mem>>) src(%dma_wait3A_34 : memref<23296xf32, #tpu.memory_space<hbm>>) dst(%arg9 : memref<23296xf32, #tpu.memory_space<vmem>>)
    %scan3A_35 = arith.constant 0 : i32
    %scan3A_36 = arith.constant 364 : i32
    %scan3A_37 = arith.addi %scan3A_35, %scan3A_36 : i32
    %scan3A_38 = arith.constant 1 : i32
    %scan3A_39:2 = scf.for %scan3A_53 = %scan3A_35 to %scan3A_37 step %scan3A_38 iter_args(%scan3A_54 = %scan3A_23#0, %scan3A_55 = %scan3A_23#1) -> (vector<16xf32>, vector<16xf32>)  : i32 {
      %mul3A_56 = arith.constant 64 : i32
      %mul3A_57 = arith.muli %scan3A_53, %mul3A_56 : i32
      %get3A = arith.index_cast %mul3A_57 : i32 to index
      %get3A_58 = tpu.vector_load %arg7[%get3A] {strides = array<i32>} : memref<23296xf32, #tpu.memory_space<vmem>>, vector<16xf32>,
      %get3A_59 = arith.index_cast %mul3A_57 : i32 to index
      %get3A_60 = tpu.vector_load %arg9[%get3A_59] {strides = array<i32>} : memref<23296xf32, #tpu.memory_space<vmem>>, vector<16xf32>,
      %bitcast_convert_type3A = tpu.bitcast %get3A_58 : vector<16xf32> -> vector<16xi32>
      %shift_right_arithmetic3A = arith.constant 16 : i32
      %shift_right_arithmetic3A_61 = vector.broadcast %shift_right_arithmetic3A : i32 to vector<16xi32>
      %shift_right_arithmetic3A_62 = arith.shrsi %bitcast_convert_type3A, %shift_right_arithmetic3A_61 : vector<16xi32>
      %sub3A = arith.constant 8192 : i32
      %sub3A_63 = vector.broadcast %sub3A : i32 to vector<16xi32>
      %sub3A_64 = arith.subi %shift_right_arithmetic3A_62, %sub3A_63 : vector<16xi32>
      %max3A = arith.constant 0 : i32
      %max3A_65 = vector.broadcast %max3A : i32 to vector<16xi32>
      %max3A_66 = arith.maxsi %sub3A_64, %max3A_65 : vector<16xi32>
      %min3A = arith.constant 8191 : i32
      %min3A_67 = vector.broadcast %min3A : i32 to vector<16xi32>
      %min3A_68 = arith.minsi %max3A_66, %min3A_67 : vector<16xi32>
      %gather3A = tpu.vector_load_idx %arg10[%min3A_68] : memref<16384xf32, #tpu.memory_space<vmem>>[vector<16xi32>], vector<16xf32>,
      %add3A_69 = arith.constant 8192 : i32
      %add3A_70 = vector.broadcast %add3A_69 : i32 to vector<16xi32>
      %add3A_71 = arith.addi %min3A_68, %add3A_70 : vector<16xi32>
      %gather3A_72 = tpu.vector_load_idx %arg10[%add3A_71] : memref<16384xf32, #tpu.memory_space<vmem>>[vector<16xi32>], vector<16xf32>,
      %mul3A_73 = arith.mulf %get3A_58, %gather3A_72 : vector<16xf32>
      %sub3A_74 = arith.constant 1.000000e+00 : f32
      %sub3A_75 = vector.broadcast %sub3A_74 : f32 to vector<16xf32>
      %sub3A_76 = arith.subf %mul3A_73, %sub3A_75 : vector<16xf32>
      %mul3A_77 = arith.mulf %sub3A_76, %sub3A_76 : vector<16xf32>
      %mul3A_78 = arith.constant 5.000000e-01 : f32
      %mul3A_79 = vector.broadcast %mul3A_78 : f32 to vector<16xf32>
      %mul3A_80 = arith.mulf %mul3A_79, %mul3A_77 : vector<16xf32>
      %sub3A_81 = arith.subf %sub3A_76, %mul3A_80 : vector<16xf32>
      %add3A_82 = arith.addf %gather3A, %sub3A_81 : vector<16xf32>
      %mul3A_83 = arith.mulf %add3A_82, %get3A_60 : vector<16xf32>
      %add3A_84 = arith.addf %scan3A_54, %mul3A_83 : vector<16xf32>
      %add3A_85 = arith.constant 16 : i32
      %add3A_86 = arith.addi %mul3A_57, %add3A_85 : i32
      %get3A_87 = arith.index_cast %add3A_86 : i32 to index
      %get3A_88 = tpu.vector_load %arg7[%get3A_87] {strides = array<i32>} : memref<23296xf32, #tpu.memory_space<vmem>>, vector<16xf32>,
      %get3A_89 = arith.index_cast %add3A_86 : i32 to index
      %get3A_90 = tpu.vector_load %arg9[%get3A_89] {strides = array<i32>} : memref<23296xf32, #tpu.memory_space<vmem>>, vector<16xf32>,
      %bitcast_convert_type3A_91 = tpu.bitcast %get3A_88 : vector<16xf32> -> vector<16xi32>
      %shift_right_arithmetic3A_92 = arith.constant 16 : i32
      %shift_right_arithmetic3A_93 = vector.broadcast %shift_right_arithmetic3A_92 : i32 to vector<16xi32>
      %shift_right_arithmetic3A_94 = arith.shrsi %bitcast_convert_type3A_91, %shift_right_arithmetic3A_93 : vector<16xi32>
      %sub3A_95 = arith.constant 8192 : i32
      %sub3A_96 = vector.broadcast %sub3A_95 : i32 to vector<16xi32>
      %sub3A_97 = arith.subi %shift_right_arithmetic3A_94, %sub3A_96 : vector<16xi32>
      %max3A_98 = arith.constant 0 : i32
      %max3A_99 = vector.broadcast %max3A_98 : i32 to vector<16xi32>
      %max3A_100 = arith.maxsi %sub3A_97, %max3A_99 : vector<16xi32>
      %min3A_101 = arith.constant 8191 : i32
      %min3A_102 = vector.broadcast %min3A_101 : i32 to vector<16xi32>
      %min3A_103 = arith.minsi %max3A_100, %min3A_102 : vector<16xi32>
      %gather3A_104 = tpu.vector_load_idx %arg10[%min3A_103] : memref<16384xf32, #tpu.memory_space<vmem>>[vector<16xi32>], vector<16xf32>,
      %add3A_105 = arith.constant 8192 : i32
      %add3A_106 = vector.broadcast %add3A_105 : i32 to vector<16xi32>
      %add3A_107 = arith.addi %min3A_103, %add3A_106 : vector<16xi32>
      %gather3A_108 = tpu.vector_load_idx %arg10[%add3A_107] : memref<16384xf32, #tpu.memory_space<vmem>>[vector<16xi32>], vector<16xf32>,
      %mul3A_109 = arith.mulf %get3A_88, %gather3A_108 : vector<16xf32>
      %sub3A_110 = arith.constant 1.000000e+00 : f32
      %sub3A_111 = vector.broadcast %sub3A_110 : f32 to vector<16xf32>
      %sub3A_112 = arith.subf %mul3A_109, %sub3A_111 : vector<16xf32>
      %mul3A_113 = arith.mulf %sub3A_112, %sub3A_112 : vector<16xf32>
      %mul3A_114 = arith.constant 5.000000e-01 : f32
      %mul3A_115 = vector.broadcast %mul3A_114 : f32 to vector<16xf32>
      %mul3A_116 = arith.mulf %mul3A_115, %mul3A_113 : vector<16xf32>
      %sub3A_117 = arith.subf %sub3A_112, %mul3A_116 : vector<16xf32>
      %add3A_118 = arith.addf %gather3A_104, %sub3A_117 : vector<16xf32>
      %mul3A_119 = arith.mulf %add3A_118, %get3A_90 : vector<16xf32>
      %add3A_120 = arith.addf %scan3A_55, %mul3A_119 : vector<16xf32>
      %add3A_121 = arith.constant 32 : i32
      %add3A_122 = arith.addi %mul3A_57, %add3A_121 : i32
      %get3A_123 = arith.index_cast %add3A_122 : i32 to index
      %get3A_124 = tpu.vector_load %arg7[%get3A_123] {strides = array<i32>} : memref<23296xf32, #tpu.memory_space<vmem>>, vector<16xf32>,
      %get3A_125 = arith.index_cast %add3A_122 : i32 to index
      %get3A_126 = tpu.vector_load %arg9[%get3A_125] {strides = array<i32>} : memref<23296xf32, #tpu.memory_space<vmem>>, vector<16xf32>,
      %bitcast_convert_type3A_127 = tpu.bitcast %get3A_124 : vector<16xf32> -> vector<16xi32>
      %shift_right_arithmetic3A_128 = arith.constant 16 : i32
      %shift_right_arithmetic3A_129 = vector.broadcast %shift_right_arithmetic3A_128 : i32 to vector<16xi32>
      %shift_right_arithmetic3A_130 = arith.shrsi %bitcast_convert_type3A_127, %shift_right_arithmetic3A_129 : vector<16xi32>
      %sub3A_131 = arith.constant 8192 : i32
      %sub3A_132 = vector.broadcast %sub3A_131 : i32 to vector<16xi32>
      %sub3A_133 = arith.subi %shift_right_arithmetic3A_130, %sub3A_132 : vector<16xi32>
      %max3A_134 = arith.constant 0 : i32
      %max3A_135 = vector.broadcast %max3A_134 : i32 to vector<16xi32>
      %max3A_136 = arith.maxsi %sub3A_133, %max3A_135 : vector<16xi32>
      %min3A_137 = arith.constant 8191 : i32
      %min3A_138 = vector.broadcast %min3A_137 : i32 to vector<16xi32>
      %min3A_139 = arith.minsi %max3A_136, %min3A_138 : vector<16xi32>
      %gather3A_140 = tpu.vector_load_idx %arg10[%min3A_139] : memref<16384xf32, #tpu.memory_space<vmem>>[vector<16xi32>], vector<16xf32>,
      %add3A_141 = arith.constant 8192 : i32
      %add3A_142 = vector.broadcast %add3A_141 : i32 to vector<16xi32>
      %add3A_143 = arith.addi %min3A_139, %add3A_142 : vector<16xi32>
      %gather3A_144 = tpu.vector_load_idx %arg10[%add3A_143] : memref<16384xf32, #tpu.memory_space<vmem>>[vector<16xi32>], vector<16xf32>,
      %mul3A_145 = arith.mulf %get3A_124, %gather3A_144 : vector<16xf32>
      %sub3A_146 = arith.constant 1.000000e+00 : f32
      %sub3A_147 = vector.broadcast %sub3A_146 : f32 to vector<16xf32>
      %sub3A_148 = arith.subf %mul3A_145, %sub3A_147 : vector<16xf32>
      %mul3A_149 = arith.mulf %sub3A_148, %sub3A_148 : vector<16xf32>
      %mul3A_150 = arith.constant 5.000000e-01 : f32
      %mul3A_151 = vector.broadcast %mul3A_150 : f32 to vector<16xf32>
      %mul3A_152 = arith.mulf %mul3A_151, %mul3A_149 : vector<16xf32>
      %sub3A_153 = arith.subf %sub3A_148, %mul3A_152 : vector<16xf32>
      %add3A_154 = arith.addf %gather3A_140, %sub3A_153 : vector<16xf32>
      %mul3A_155 = arith.mulf %add3A_154, %get3A_126 : vector<16xf32>
      %add3A_156 = arith.addf %add3A_84, %mul3A_155 : vector<16xf32>
      %add3A_157 = arith.constant 48 : i32
      %add3A_158 = arith.addi %mul3A_57, %add3A_157 : i32
      %get3A_159 = arith.index_cast %add3A_158 : i32 to index
      %get3A_160 = tpu.vector_load %arg7[%get3A_159] {strides = array<i32>} : memref<23296xf32, #tpu.memory_space<vmem>>, vector<16xf32>,
      %get3A_161 = arith.index_cast %add3A_158 : i32 to index
      %get3A_162 = tpu.vector_load %arg9[%get3A_161] {strides = array<i32>} : memref<23296xf32, #tpu.memory_space<vmem>>, vector<16xf32>,
      %bitcast_convert_type3A_163 = tpu.bitcast %get3A_160 : vector<16xf32> -> vector<16xi32>
      %shift_right_arithmetic3A_164 = arith.constant 16 : i32
      %shift_right_arithmetic3A_165 = vector.broadcast %shift_right_arithmetic3A_164 : i32 to vector<16xi32>
      %shift_right_arithmetic3A_166 = arith.shrsi %bitcast_convert_type3A_163, %shift_right_arithmetic3A_165 : vector<16xi32>
      %sub3A_167 = arith.constant 8192 : i32
      %sub3A_168 = vector.broadcast %sub3A_167 : i32 to vector<16xi32>
      %sub3A_169 = arith.subi %shift_right_arithmetic3A_166, %sub3A_168 : vector<16xi32>
      %max3A_170 = arith.constant 0 : i32
      %max3A_171 = vector.broadcast %max3A_170 : i32 to vector<16xi32>
      %max3A_172 = arith.maxsi %sub3A_169, %max3A_171 : vector<16xi32>
      %min3A_173 = arith.constant 8191 : i32
      %min3A_174 = vector.broadcast %min3A_173 : i32 to vector<16xi32>
      %min3A_175 = arith.minsi %max3A_172, %min3A_174 : vector<16xi32>
      %gather3A_176 = tpu.vector_load_idx %arg10[%min3A_175] : memref<16384xf32, #tpu.memory_space<vmem>>[vector<16xi32>], vector<16xf32>,
      %add3A_177 = arith.constant 8192 : i32
      %add3A_178 = vector.broadcast %add3A_177 : i32 to vector<16xi32>
      %add3A_179 = arith.addi %min3A_175, %add3A_178 : vector<16xi32>
      %gather3A_180 = tpu.vector_load_idx %arg10[%add3A_179] : memref<16384xf32, #tpu.memory_space<vmem>>[vector<16xi32>], vector<16xf32>,
      %mul3A_181 = arith.mulf %get3A_160, %gather3A_180 : vector<16xf32>
      %sub3A_182 = arith.constant 1.000000e+00 : f32
      %sub3A_183 = vector.broadcast %sub3A_182 : f32 to vector<16xf32>
      %sub3A_184 = arith.subf %mul3A_181, %sub3A_183 : vector<16xf32>
      %mul3A_185 = arith.mulf %sub3A_184, %sub3A_184 : vector<16xf32>
      %mul3A_186 = arith.constant 5.000000e-01 : f32
      %mul3A_187 = vector.broadcast %mul3A_186 : f32 to vector<16xf32>
      %mul3A_188 = arith.mulf %mul3A_187, %mul3A_185 : vector<16xf32>
      %sub3A_189 = arith.subf %sub3A_184, %mul3A_188 : vector<16xf32>
      %add3A_190 = arith.addf %gather3A_176, %sub3A_189 : vector<16xf32>
      %mul3A_191 = arith.mulf %add3A_190, %get3A_162 : vector<16xf32>
      %add3A_192 = arith.addf %add3A_120, %mul3A_191 : vector<16xf32>
      scf.yield %add3A_156, %add3A_192 : vector<16xf32>, vector<16xf32>
    }
    %scan3A_40 = arith.constant 364 : i32
    %dma_wait3A_41 = tpu.memref_slice %arg2[%add3A_26] : memref<8386560xf32, #tpu.memory_space<hbm>> -> memref<23296xf32, #tpu.memory_space<hbm>>
    %dma_wait3A_42 = tpu.memref_slice %arg2[%add3A_26] : memref<8386560xf32, #tpu.memory_space<hbm>> -> memref<23296xf32, #tpu.memory_space<hbm>>
    tpu.wait_dma2 semaphore(%arg12 : memref<!tpu.dma_semaphore, #tpu.memory_space<semaphore_mem>>) src(%dma_wait3A_42 : memref<23296xf32, #tpu.memory_space<hbm>>) dst(%arg6 : memref<23296xf32, #tpu.memory_space<vmem>>)
    %dma_wait3A_43 = tpu.memref_slice %arg3[%add3A_26] : memref<8386560xf32, #tpu.memory_space<hbm>> -> memref<23296xf32, #tpu.memory_space<hbm>>
    %dma_wait3A_44 = tpu.memref_slice %arg3[%add3A_26] : memref<8386560xf32, #tpu.memory_space<hbm>> -> memref<23296xf32, #tpu.memory_space<hbm>>
    tpu.wait_dma2 semaphore(%arg14 : memref<!tpu.dma_semaphore, #tpu.memory_space<semaphore_mem>>) src(%dma_wait3A_44 : memref<23296xf32, #tpu.memory_space<hbm>>) dst(%arg8 : memref<23296xf32, #tpu.memory_space<vmem>>)
    %scan3A_45 = arith.constant 0 : i32
    %scan3A_46 = arith.constant 364 : i32
    %scan3A_47 = arith.addi %scan3A_45, %scan3A_46 : i32
    %scan3A_48 = arith.constant 1 : i32
    %scan3A_49:2 = scf.for %scan3A_53 = %scan3A_45 to %scan3A_47 step %scan3A_48 iter_args(%scan3A_54 = %scan3A_39#0, %scan3A_55 = %scan3A_39#1) -> (vector<16xf32>, vector<16xf32>)  : i32 {
      %mul3A_56 = arith.constant 64 : i32
      %mul3A_57 = arith.muli %scan3A_53, %mul3A_56 : i32
      %get3A = arith.index_cast %mul3A_57 : i32 to index
      %get3A_58 = tpu.vector_load %arg6[%get3A] {strides = array<i32>} : memref<23296xf32, #tpu.memory_space<vmem>>, vector<16xf32>,
      %get3A_59 = arith.index_cast %mul3A_57 : i32 to index
      %get3A_60 = tpu.vector_load %arg8[%get3A_59] {strides = array<i32>} : memref<23296xf32, #tpu.memory_space<vmem>>, vector<16xf32>,
      %bitcast_convert_type3A = tpu.bitcast %get3A_58 : vector<16xf32> -> vector<16xi32>
      %shift_right_arithmetic3A = arith.constant 16 : i32
      %shift_right_arithmetic3A_61 = vector.broadcast %shift_right_arithmetic3A : i32 to vector<16xi32>
      %shift_right_arithmetic3A_62 = arith.shrsi %bitcast_convert_type3A, %shift_right_arithmetic3A_61 : vector<16xi32>
      %sub3A = arith.constant 8192 : i32
      %sub3A_63 = vector.broadcast %sub3A : i32 to vector<16xi32>
      %sub3A_64 = arith.subi %shift_right_arithmetic3A_62, %sub3A_63 : vector<16xi32>
      %max3A = arith.constant 0 : i32
      %max3A_65 = vector.broadcast %max3A : i32 to vector<16xi32>
      %max3A_66 = arith.maxsi %sub3A_64, %max3A_65 : vector<16xi32>
      %min3A = arith.constant 8191 : i32
      %min3A_67 = vector.broadcast %min3A : i32 to vector<16xi32>
      %min3A_68 = arith.minsi %max3A_66, %min3A_67 : vector<16xi32>
      %gather3A = tpu.vector_load_idx %arg10[%min3A_68] : memref<16384xf32, #tpu.memory_space<vmem>>[vector<16xi32>], vector<16xf32>,
      %add3A_69 = arith.constant 8192 : i32
      %add3A_70 = vector.broadcast %add3A_69 : i32 to vector<16xi32>
      %add3A_71 = arith.addi %min3A_68, %add3A_70 : vector<16xi32>
      %gather3A_72 = tpu.vector_load_idx %arg10[%add3A_71] : memref<16384xf32, #tpu.memory_space<vmem>>[vector<16xi32>], vector<16xf32>,
      %mul3A_73 = arith.mulf %get3A_58, %gather3A_72 : vector<16xf32>
      %sub3A_74 = arith.constant 1.000000e+00 : f32
      %sub3A_75 = vector.broadcast %sub3A_74 : f32 to vector<16xf32>
      %sub3A_76 = arith.subf %mul3A_73, %sub3A_75 : vector<16xf32>
      %mul3A_77 = arith.mulf %sub3A_76, %sub3A_76 : vector<16xf32>
      %mul3A_78 = arith.constant 5.000000e-01 : f32
      %mul3A_79 = vector.broadcast %mul3A_78 : f32 to vector<16xf32>
      %mul3A_80 = arith.mulf %mul3A_79, %mul3A_77 : vector<16xf32>
      %sub3A_81 = arith.subf %sub3A_76, %mul3A_80 : vector<16xf32>
      %add3A_82 = arith.addf %gather3A, %sub3A_81 : vector<16xf32>
      %mul3A_83 = arith.mulf %add3A_82, %get3A_60 : vector<16xf32>
      %add3A_84 = arith.addf %scan3A_54, %mul3A_83 : vector<16xf32>
      %add3A_85 = arith.constant 16 : i32
      %add3A_86 = arith.addi %mul3A_57, %add3A_85 : i32
      %get3A_87 = arith.index_cast %add3A_86 : i32 to index
      %get3A_88 = tpu.vector_load %arg6[%get3A_87] {strides = array<i32>} : memref<23296xf32, #tpu.memory_space<vmem>>, vector<16xf32>,
      %get3A_89 = arith.index_cast %add3A_86 : i32 to index
      %get3A_90 = tpu.vector_load %arg8[%get3A_89] {strides = array<i32>} : memref<23296xf32, #tpu.memory_space<vmem>>, vector<16xf32>,
      %bitcast_convert_type3A_91 = tpu.bitcast %get3A_88 : vector<16xf32> -> vector<16xi32>
      %shift_right_arithmetic3A_92 = arith.constant 16 : i32
      %shift_right_arithmetic3A_93 = vector.broadcast %shift_right_arithmetic3A_92 : i32 to vector<16xi32>
      %shift_right_arithmetic3A_94 = arith.shrsi %bitcast_convert_type3A_91, %shift_right_arithmetic3A_93 : vector<16xi32>
      %sub3A_95 = arith.constant 8192 : i32
      %sub3A_96 = vector.broadcast %sub3A_95 : i32 to vector<16xi32>
      %sub3A_97 = arith.subi %shift_right_arithmetic3A_94, %sub3A_96 : vector<16xi32>
      %max3A_98 = arith.constant 0 : i32
      %max3A_99 = vector.broadcast %max3A_98 : i32 to vector<16xi32>
      %max3A_100 = arith.maxsi %sub3A_97, %max3A_99 : vector<16xi32>
      %min3A_101 = arith.constant 8191 : i32
      %min3A_102 = vector.broadcast %min3A_101 : i32 to vector<16xi32>
      %min3A_103 = arith.minsi %max3A_100, %min3A_102 : vector<16xi32>
      %gather3A_104 = tpu.vector_load_idx %arg10[%min3A_103] : memref<16384xf32, #tpu.memory_space<vmem>>[vector<16xi32>], vector<16xf32>,
      %add3A_105 = arith.constant 8192 : i32
      %add3A_106 = vector.broadcast %add3A_105 : i32 to vector<16xi32>
      %add3A_107 = arith.addi %min3A_103, %add3A_106 : vector<16xi32>
      %gather3A_108 = tpu.vector_load_idx %arg10[%add3A_107] : memref<16384xf32, #tpu.memory_space<vmem>>[vector<16xi32>], vector<16xf32>,
      %mul3A_109 = arith.mulf %get3A_88, %gather3A_108 : vector<16xf32>
      %sub3A_110 = arith.constant 1.000000e+00 : f32
      %sub3A_111 = vector.broadcast %sub3A_110 : f32 to vector<16xf32>
      %sub3A_112 = arith.subf %mul3A_109, %sub3A_111 : vector<16xf32>
      %mul3A_113 = arith.mulf %sub3A_112, %sub3A_112 : vector<16xf32>
      %mul3A_114 = arith.constant 5.000000e-01 : f32
      %mul3A_115 = vector.broadcast %mul3A_114 : f32 to vector<16xf32>
      %mul3A_116 = arith.mulf %mul3A_115, %mul3A_113 : vector<16xf32>
      %sub3A_117 = arith.subf %sub3A_112, %mul3A_116 : vector<16xf32>
      %add3A_118 = arith.addf %gather3A_104, %sub3A_117 : vector<16xf32>
      %mul3A_119 = arith.mulf %add3A_118, %get3A_90 : vector<16xf32>
      %add3A_120 = arith.addf %scan3A_55, %mul3A_119 : vector<16xf32>
      %add3A_121 = arith.constant 32 : i32
      %add3A_122 = arith.addi %mul3A_57, %add3A_121 : i32
      %get3A_123 = arith.index_cast %add3A_122 : i32 to index
      %get3A_124 = tpu.vector_load %arg6[%get3A_123] {strides = array<i32>} : memref<23296xf32, #tpu.memory_space<vmem>>, vector<16xf32>,
      %get3A_125 = arith.index_cast %add3A_122 : i32 to index
      %get3A_126 = tpu.vector_load %arg8[%get3A_125] {strides = array<i32>} : memref<23296xf32, #tpu.memory_space<vmem>>, vector<16xf32>,
      %bitcast_convert_type3A_127 = tpu.bitcast %get3A_124 : vector<16xf32> -> vector<16xi32>
      %shift_right_arithmetic3A_128 = arith.constant 16 : i32
      %shift_right_arithmetic3A_129 = vector.broadcast %shift_right_arithmetic3A_128 : i32 to vector<16xi32>
      %shift_right_arithmetic3A_130 = arith.shrsi %bitcast_convert_type3A_127, %shift_right_arithmetic3A_129 : vector<16xi32>
      %sub3A_131 = arith.constant 8192 : i32
      %sub3A_132 = vector.broadcast %sub3A_131 : i32 to vector<16xi32>
      %sub3A_133 = arith.subi %shift_right_arithmetic3A_130, %sub3A_132 : vector<16xi32>
      %max3A_134 = arith.constant 0 : i32
      %max3A_135 = vector.broadcast %max3A_134 : i32 to vector<16xi32>
      %max3A_136 = arith.maxsi %sub3A_133, %max3A_135 : vector<16xi32>
      %min3A_137 = arith.constant 8191 : i32
      %min3A_138 = vector.broadcast %min3A_137 : i32 to vector<16xi32>
      %min3A_139 = arith.minsi %max3A_136, %min3A_138 : vector<16xi32>
      %gather3A_140 = tpu.vector_load_idx %arg10[%min3A_139] : memref<16384xf32, #tpu.memory_space<vmem>>[vector<16xi32>], vector<16xf32>,
      %add3A_141 = arith.constant 8192 : i32
      %add3A_142 = vector.broadcast %add3A_141 : i32 to vector<16xi32>
      %add3A_143 = arith.addi %min3A_139, %add3A_142 : vector<16xi32>
      %gather3A_144 = tpu.vector_load_idx %arg10[%add3A_143] : memref<16384xf32, #tpu.memory_space<vmem>>[vector<16xi32>], vector<16xf32>,
      %mul3A_145 = arith.mulf %get3A_124, %gather3A_144 : vector<16xf32>
      %sub3A_146 = arith.constant 1.000000e+00 : f32
      %sub3A_147 = vector.broadcast %sub3A_146 : f32 to vector<16xf32>
      %sub3A_148 = arith.subf %mul3A_145, %sub3A_147 : vector<16xf32>
      %mul3A_149 = arith.mulf %sub3A_148, %sub3A_148 : vector<16xf32>
      %mul3A_150 = arith.constant 5.000000e-01 : f32
      %mul3A_151 = vector.broadcast %mul3A_150 : f32 to vector<16xf32>
      %mul3A_152 = arith.mulf %mul3A_151, %mul3A_149 : vector<16xf32>
      %sub3A_153 = arith.subf %sub3A_148, %mul3A_152 : vector<16xf32>
      %add3A_154 = arith.addf %gather3A_140, %sub3A_153 : vector<16xf32>
      %mul3A_155 = arith.mulf %add3A_154, %get3A_126 : vector<16xf32>
      %add3A_156 = arith.addf %add3A_84, %mul3A_155 : vector<16xf32>
      %add3A_157 = arith.constant 48 : i32
      %add3A_158 = arith.addi %mul3A_57, %add3A_157 : i32
      %get3A_159 = arith.index_cast %add3A_158 : i32 to index
      %get3A_160 = tpu.vector_load %arg6[%get3A_159] {strides = array<i32>} : memref<23296xf32, #tpu.memory_space<vmem>>, vector<16xf32>,
      %get3A_161 = arith.index_cast %add3A_158 : i32 to index
      %get3A_162 = tpu.vector_load %arg8[%get3A_161] {strides = array<i32>} : memref<23296xf32, #tpu.memory_space<vmem>>, vector<16xf32>,
      %bitcast_convert_type3A_163 = tpu.bitcast %get3A_160 : vector<16xf32> -> vector<16xi32>
      %shift_right_arithmetic3A_164 = arith.constant 16 : i32
      %shift_right_arithmetic3A_165 = vector.broadcast %shift_right_arithmetic3A_164 : i32 to vector<16xi32>
      %shift_right_arithmetic3A_166 = arith.shrsi %bitcast_convert_type3A_163, %shift_right_arithmetic3A_165 : vector<16xi32>
      %sub3A_167 = arith.constant 8192 : i32
      %sub3A_168 = vector.broadcast %sub3A_167 : i32 to vector<16xi32>
      %sub3A_169 = arith.subi %shift_right_arithmetic3A_166, %sub3A_168 : vector<16xi32>
      %max3A_170 = arith.constant 0 : i32
      %max3A_171 = vector.broadcast %max3A_170 : i32 to vector<16xi32>
      %max3A_172 = arith.maxsi %sub3A_169, %max3A_171 : vector<16xi32>
      %min3A_173 = arith.constant 8191 : i32
      %min3A_174 = vector.broadcast %min3A_173 : i32 to vector<16xi32>
      %min3A_175 = arith.minsi %max3A_172, %min3A_174 : vector<16xi32>
      %gather3A_176 = tpu.vector_load_idx %arg10[%min3A_175] : memref<16384xf32, #tpu.memory_space<vmem>>[vector<16xi32>], vector<16xf32>,
      %add3A_177 = arith.constant 8192 : i32
      %add3A_178 = vector.broadcast %add3A_177 : i32 to vector<16xi32>
      %add3A_179 = arith.addi %min3A_175, %add3A_178 : vector<16xi32>
      %gather3A_180 = tpu.vector_load_idx %arg10[%add3A_179] : memref<16384xf32, #tpu.memory_space<vmem>>[vector<16xi32>], vector<16xf32>,
      %mul3A_181 = arith.mulf %get3A_160, %gather3A_180 : vector<16xf32>
      %sub3A_182 = arith.constant 1.000000e+00 : f32
      %sub3A_183 = vector.broadcast %sub3A_182 : f32 to vector<16xf32>
      %sub3A_184 = arith.subf %mul3A_181, %sub3A_183 : vector<16xf32>
      %mul3A_185 = arith.mulf %sub3A_184, %sub3A_184 : vector<16xf32>
      %mul3A_186 = arith.constant 5.000000e-01 : f32
      %mul3A_187 = vector.broadcast %mul3A_186 : f32 to vector<16xf32>
      %mul3A_188 = arith.mulf %mul3A_187, %mul3A_185 : vector<16xf32>
      %sub3A_189 = arith.subf %sub3A_184, %mul3A_188 : vector<16xf32>
      %add3A_190 = arith.addf %gather3A_176, %sub3A_189 : vector<16xf32>
      %mul3A_191 = arith.mulf %add3A_190, %get3A_162 : vector<16xf32>
      %add3A_192 = arith.addf %add3A_120, %mul3A_191 : vector<16xf32>
      scf.yield %add3A_156, %add3A_192 : vector<16xf32>, vector<16xf32>
    }
    %scan3A_50 = arith.constant 364 : i32
    %add3A_51 = arith.addf %scan3A_49#0, %scan3A_49#1 : vector<16xf32>
    %swap3A = arith.constant 0 : index
    %swap3A_52 = tpu.vector_load %arg11[%swap3A] {strides = array<i32>} : memref<16xf32, #tpu.memory_space<vmem>>, vector<16xf32>,
    tpu.vector_store %arg11[%swap3A], %add3A_51 {strides = array<i32>} : memref<16xf32, #tpu.memory_space<vmem>>, vector<16xf32>,
    "tpu.region"() ({
      %run_scoped3A = tpu.sem_alloc : memref<!tpu.dma_semaphore, #tpu.memory_space<semaphore_mem>>
      %dma_start3A_53 = arith.constant 0 : i32
      %dma_start3A_54 = tpu.memref_slice %arg5[%add3A, %dma_start3A_53] : memref<32x16xf32, #tpu.memory_space<hbm>> -> memref<1x16xf32, #tpu.memory_space<hbm>>
      %dma_start3A_55 = tpu.memref_squeeze %dma_start3A_54 : memref<1x16xf32, #tpu.memory_space<hbm>> -> memref<16xf32, #tpu.memory_space<hbm>>
      %dma_start3A_56 = arith.constant 0 : i32
      %dma_start3A_57 = tpu.memref_slice %arg5[%add3A, %dma_start3A_56] : memref<32x16xf32, #tpu.memory_space<hbm>> -> memref<1x16xf32, #tpu.memory_space<hbm>>
      %dma_start3A_58 = tpu.memref_squeeze %dma_start3A_57 : memref<1x16xf32, #tpu.memory_space<hbm>> -> memref<16xf32, #tpu.memory_space<hbm>>
      tpu.enqueue_dma source(%arg11 : memref<16xf32, #tpu.memory_space<vmem>>) target(%dma_start3A_58 : memref<16xf32, #tpu.memory_space<hbm>>) target_semaphore(%run_scoped3A : memref<!tpu.dma_semaphore, #tpu.memory_space<semaphore_mem>>)
      %dma_wait3A_59 = arith.constant 0 : i32
      %dma_wait3A_60 = tpu.memref_slice %arg5[%add3A, %dma_wait3A_59] : memref<32x16xf32, #tpu.memory_space<hbm>> -> memref<1x16xf32, #tpu.memory_space<hbm>>
      %dma_wait3A_61 = tpu.memref_squeeze %dma_wait3A_60 : memref<1x16xf32, #tpu.memory_space<hbm>> -> memref<16xf32, #tpu.memory_space<hbm>>
      %dma_wait3A_62 = arith.constant 0 : i32
      %dma_wait3A_63 = tpu.memref_slice %arg5[%add3A, %dma_wait3A_62] : memref<32x16xf32, #tpu.memory_space<hbm>> -> memref<1x16xf32, #tpu.memory_space<hbm>>
      %dma_wait3A_64 = tpu.memref_squeeze %dma_wait3A_63 : memref<1x16xf32, #tpu.memory_space<hbm>> -> memref<16xf32, #tpu.memory_space<hbm>>
      tpu.wait_dma2 semaphore(%run_scoped3A : memref<!tpu.dma_semaphore, #tpu.memory_space<semaphore_mem>>) src(%arg11 : memref<16xf32, #tpu.memory_space<vmem>>) dst(%dma_wait3A_64 : memref<16xf32, #tpu.memory_space<hbm>>)
      tpu.yield
    }) : () -> ()
    return
  }
}

module attributes {stable_mosaic.version = 14 : i64} {
  func.func @_tc_body(%arg0: i32, %arg1: memref<2184x128xf32, #tpu.memory_space<vmem>>, %arg2: memref<2184x128xf32, #tpu.memory_space<vmem>>, %arg3: memref<1x1xf32, #tpu.memory_space<smem>>) attributes {dimension_semantics = [#tpu.dimension_semantics<arbitrary>], iteration_bounds = array<i64: 22>, scalar_prefetch = 0 : i64, scratch_operands = 0 : i64, tpu.core_type = #tpu.core_type<tc>, window_params = [{transform_indices = @transform_0, window_bounds = array<i64: 2184, 128>}, {transform_indices = @transform_1, window_bounds = array<i64: 2184, 128>}, {transform_indices = @transform_2, window_bounds = array<i64: 1, 1>}]} {
    %eq3A = arith.constant 0 : i32
    %eq3A_0 = arith.cmpi eq, %arg0, %eq3A : i32
    %convert_element_type3A = arith.extui %eq3A_0 : i1 to i32
    %cond3A = arith.constant 0 : i32
    %cond3A_1 = arith.cmpi ne, %convert_element_type3A, %cond3A : i32
    scf.if %cond3A_1 {
      %swap3A_16 = arith.constant 0.000000e+00 : f32
      %swap3A_17 = arith.constant 0 : index
      %swap3A_18 = arith.constant 0 : index
      %swap3A_19 = memref.load %arg3[%swap3A_17, %swap3A_18] : memref<1x1xf32, #tpu.memory_space<smem>>
      memref.store %swap3A_16, %arg3[%swap3A_17, %swap3A_18] : memref<1x1xf32, #tpu.memory_space<smem>>
    } else {
    }
    %get3A = arith.constant 0 : index
    %get3A_2 = arith.constant 0 : index
    %get3A_3 = memref.load %arg3[%get3A, %get3A_2] : memref<1x1xf32, #tpu.memory_space<smem>>
    %get3A_4 = arith.constant 0 : index
    %get3A_5 = arith.constant 0 : index
    %get3A_6 = vector.load %arg1[%get3A_4, %get3A_5] : memref<2184x128xf32, #tpu.memory_space<vmem>>, vector<2184x128xf32>
    %log3A = math.log %get3A_6 : vector<2184x128xf32>
    %get3A_7 = arith.constant 0 : index
    %get3A_8 = arith.constant 0 : index
    %get3A_9 = vector.load %arg2[%get3A_7, %get3A_8] : memref<2184x128xf32, #tpu.memory_space<vmem>>, vector<2184x128xf32>
    %mul3A = arith.mulf %log3A, %get3A_9 : vector<2184x128xf32>
    %reduce_sum3A = vector.shape_cast %mul3A : vector<2184x128xf32> to vector<1x2184x128xf32>
    %reduce_sum3A_10 = arith.constant dense<0.000000e+00> : vector<1xf32>
    %reduce_sum3A_11 = vector.multi_reduction <add>, %reduce_sum3A, %reduce_sum3A_10 [1, 2] : vector<1x2184x128xf32> to vector<1xf32>
    %reduce_sum3A_12 = vector.shape_cast %reduce_sum3A_11 : vector<1xf32> to vector<1x1x1xf32>
    %reduce_sum3A_13 = vector.extract %reduce_sum3A_12[0, 0, 0] : f32 from vector<1x1x1xf32>
    %add3A = arith.addf %get3A_3, %reduce_sum3A_13 : f32
    %swap3A = arith.constant 0 : index
    %swap3A_14 = arith.constant 0 : index
    %swap3A_15 = memref.load %arg3[%swap3A, %swap3A_14] : memref<1x1xf32, #tpu.memory_space<smem>>
    memref.store %add3A, %arg3[%swap3A, %swap3A_14] : memref<1x1xf32, #tpu.memory_space<smem>>
    return
  }
  func.func @transform_0(%arg0: i32) -> (i32, i32) {
    %add3A = arith.constant 8 : i32
    %add3A_0 = arith.addi %arg0, %add3A : i32
    %c0_i32 = arith.constant 0 : i32
    %c0_i32_1 = arith.constant 0 : i32
    return %add3A_0, %c0_i32 : i32, i32
  }
  func.func @transform_1(%arg0: i32) -> (i32, i32) {
    %add3A = arith.constant 8 : i32
    %add3A_0 = arith.addi %arg0, %add3A : i32
    %c0_i32 = arith.constant 0 : i32
    %c0_i32_1 = arith.constant 0 : i32
    return %add3A_0, %c0_i32 : i32, i32
  }
  func.func @transform_2(%arg0: i32) -> (i32, i32) {
    %c0_i32 = arith.constant 0 : i32
    %c0_i32_0 = arith.constant 0 : i32
    %c0_i32_1 = arith.constant 0 : i32
    return %c0_i32, %c0_i32_0 : i32, i32
  }
}

</mosaic_0001>

<sc_bundles>
// kernel: kernel.4.cloned.1.call-start
scs
__scs_entry_jumppad:
0x0: {  	(pc) =	sbr.rel $0x88, $3  }
0x1: {  	(tag) =	ssettag $0x0;
	lr =	simm.s32 $0x1  }
0x2: {  	[smem:$0x3F9F] =	sst lr;
	_ =	strace $0xD0000000  }
0x3: {  	_ = 	snop  }
0x4: {  	_ = 	snop  }
0x5: {  	_ = 	snop  }
0x6: {  	_ = 	snop  }
0x7: {  	_ = 	snop  }
__scs_overlays_trampoline_lowered:
0x8: {  	[smem:$0x3FAE] =	sst s0  }
0x9: {  	[smem:$0x3FAF] =	sst s1  }
0xa: {  	[smem:$0x3FB0] =	sst s2  }
0xb: {  	[smem:$0x3FB1] =	sst s3  }
0xc: {  	[smem:$0x3FB2] =	sst s4  }
0xd: {  	[smem:$0x3FB3] =	sst s5  }
0xe: {  	[smem:$0x3FB4] =	sst s6  }
0xf: {  	[smem:$0x3FB5] =	sst s7  }
0x10: {  	[smem:$0x3FB6] =	sst s8  }
0x11: {  	[smem:$0x3FB7] =	sst s9;
	s0 =	simm.s32 @!p0 $0x0  }
0x12: {  	s1 =	sld [smem:$0x3F9D];
	s0 =	simm.s32 @p0 $0x1  }
0x13: {  	[smem:$0x3FB8] =	sst s0;
	s0 =	simm.s32 @!p1 $0x0  }
0x14: {  	s2 =	sld [smem:$0x3F9C];
	s0 =	simm.s32 @p1 $0x1  }
0x15: {  	[smem:$0x3FB9] =	sst s0;
	s0 =	simm.s32 @!p2 $0x0  }
0x16: {  	s3 =	sld [smem:$0x3FDB];
	s0 =	simm.s32 @p2 $0x1  }
0x17: {  	s4 =	simm.s32 $0x1BF5;
	[smem:$0x3FBB] =	sst s0  }
0x18: {  	s0 =	sld [smem:$0x3F9E];
	_ =	swait.ge [sflag:s4], $0x0  }
0x19: {  	s7 =	sld [smem:$0x3F9F]  }
0x1a: {  	s8 =	sadd.s32 $0xFFFFE003, lr  }
0x1b: {  	s9 =	sadd.s32 $0xFFFFFEF7, lr;
	s5 =	simm.s32 $0xFFFFFFFF;
	p2 =	slt.u32 s8, $0xFFFFF086  }
0x1c: {  	p1 =	slt.u32 s9, $0xF7A;
	s5 =	simm.s32 @!p2 $0x0  }
0x1d: {  	s5 =	simm.s32 @p1 $0x1;
	p0 =	seq.s32 s7, s2  }
0x1e: {  	s7 =	smul.u32 @!p0 $0xF7A, s2;
	p2 =	seq.s32 @!p0 s5, $0x0  }
0x1f: {  	s9 =	smul.u32 $0xF7A, s1;
	s8 =	simm.s32 @!p0 $0x1BF5;
	p2 =	por !p2, p0  }
0x20: {  	[sflag:s8] =	ssyncset.s32 @!p0 $0xFFFFF086;
	s6 =	sadd.s32 @!p0 s3, s7;
	s7 =	simm.s32 @!p0 $0x108  }
0x21: {  	s3 =	sadd.s32 s3, s9;
	s6 =	sadd.s32 @!p0 $0x88, s6;
	s7 =	simm.s32 @p2 $0x1082  }
0x22: {  	[simem:s7], [sflag:s8] =	dma.local @!p0 [hbm:s6], $0xF7A  }
0x23: {  	s9 =	sor.u32 $0xD0000000, s2;
	s6 =	simm.s32 $0x108;
	_ =	swait.ge @!p0 [sflag:s8], $0x0  }
0x24: {  	s3 =	sadd.s32 $0x88, s3;
	s6 =	simm.s32 @!p1 $0x1082;
	[sflag:s4] =	ssyncset.s32 $0xFFFFF086  }
0x25: {  	[simem:s6], [sflag:s4] =	dma.local [hbm:s3], $0xF7A  }
0x26: {  	[smem:$0x3F9F] =	sst s1;
	(tag) =	ssettag s2;
	_ =	strace s9  }
0x27: {  	s1 =	sld [smem:$0x3FAF]  }
0x28: {  	s2 =	sld [smem:$0x3FB0]  }
0x29: {  	s4 =	sld [smem:$0x3FB2]  }
0x2a: {  	p0 =	seq.s32 s5, $0x0;
	s5 =	sld [smem:$0x3FB3]  }
0x2b: {  	s6 =	sld [smem:$0x3FB4]  }
0x2c: {  	s7 =	sld [smem:$0x3FB5]  }
0x2d: {  	s3 =	simm.s32 $0x108;
	s8 =	sld [smem:$0x3FB6]  }
0x2e: {  	s3 =	simm.s32 @!p0 $0x1082;
	s9 =	sld [smem:$0x3FB7]  }
0x2f: {  	lr =	sadd.s32 s0, s3;
	s0 =	sld [smem:$0x3FAE]  }
0x30: {  	s3 =	sld [smem:$0x3FB1]  }
0x31: {  	[smem:$0x3FBA] =	sst s10  }
0x32: {  	s10 =	sld [smem:$0x3FB8];
	_ =	sdelay $0x3  }
0x33: {  	p0 =	seq.s32 s10, $0x1;
	s10 =	sld [smem:$0x3FBA];
	_ =	sdelay $0x3  }
0x34: {  	[smem:$0x3FBA] =	sst s10  }
0x35: {  	s10 =	sld [smem:$0x3FB9];
	_ =	sdelay $0x3  }
0x36: {  	p1 =	seq.s32 s10, $0x1;
	s10 =	sld [smem:$0x3FBA];
	_ =	sdelay $0x3  }
0x37: {  	[smem:$0x3FBA] =	sst s10  }
0x38: {  	s10 =	sld [smem:$0x3FBB]  }
0x39: {  	_ = 	snop;
	(pc) =	sbr.ind lr, $3  }
0x3a: {  	_ = 	snop  }
0x3b: {  	_ = 	snop  }
0x3c: {  	p2 =	seq.s32 s10, $0x1;
	s10 =	sld [smem:$0x3FBA]  }
0x3d: {  	_ =	shalt  }
0x3e: {  	_ =	shalt  }
0x3f: {  	_ =	shalt  }
0x40: {  	_ =	shalt  }
0x41: {  	_ =	shalt  }
0x42: {  	_ =	shalt  }
0x43: {  	_ =	shalt  }
0x44: {  	_ =	shalt  }
0x45: {  	_ =	shalt  }
0x46: {  	_ =	shalt  }
0x47: {  	_ =	shalt  }
0x48: {  	_ =	shalt  }
0x49: {  	_ =	shalt  }
0x4a: {  	_ =	shalt  }
0x4b: {  	_ =	shalt  }
0x4c: {  	_ =	shalt  }
0x4d: {  	_ =	shalt  }
0x4e: {  	_ =	shalt  }
0x4f: {  	_ =	shalt  }
0x50: {  	_ =	shalt  }
0x51: {  	_ =	shalt  }
0x52: {  	_ =	shalt  }
0x53: {  	_ =	shalt  }
0x54: {  	_ =	shalt  }
0x55: {  	_ =	shalt  }
0x56: {  	_ =	shalt  }
0x57: {  	_ =	shalt  }
0x58: {  	_ =	shalt  }
0x59: {  	_ =	shalt  }
0x5a: {  	_ =	shalt  }
0x5b: {  	_ =	shalt  }
0x5c: {  	_ =	shalt  }
0x5d: {  	_ =	shalt  }
0x5e: {  	_ =	shalt  }
0x5f: {  	_ =	shalt  }
0x60: {  	_ =	shalt  }
0x61: {  	_ =	shalt  }
0x62: {  	_ =	shalt  }
0x63: {  	_ =	shalt  }
0x64: {  	_ =	shalt  }
0x65: {  	_ =	shalt  }
0x66: {  	_ =	shalt  }
0x67: {  	_ =	shalt  }
0x68: {  	_ =	shalt  }
0x69: {  	_ =	shalt  }
0x6a: {  	_ =	shalt  }
0x6b: {  	_ =	shalt  }
0x6c: {  	_ =	shalt  }
0x6d: {  	_ =	shalt  }
0x6e: {  	_ =	shalt  }
0x6f: {  	_ =	shalt  }
0x70: {  	_ =	shalt  }
0x71: {  	_ =	shalt  }
0x72: {  	_ =	shalt  }
0x73: {  	_ =	shalt  }
0x74: {  	_ =	shalt  }
0x75: {  	_ =	shalt  }
0x76: {  	_ =	shalt  }
0x77: {  	_ =	shalt  }
0x78: {  	_ =	shalt  }
0x79: {  	_ =	shalt  }
0x7a: {  	_ =	shalt  }
0x7b: {  	_ =	shalt  }
0x7c: {  	_ =	shalt  }
0x7d: {  	_ =	shalt  }
0x7e: {  	_ =	shalt  }
0x7f: {  	_ =	shalt  }
0x80: {  	_ =	shalt  }
0x81: {  	_ =	shalt  }
0x82: {  	_ =	shalt  }
0x83: {  	_ =	shalt  }
0x84: {  	_ =	shalt  }
0x85: {  	_ =	shalt  }
0x86: {  	_ =	shalt  }
0x87: {  	_ =	shalt  }
.Lfunc_end0:
.L_simem_size_0:
called_computation_lowered:
.L_overlay_start_0:
0x88: {  	s2 =	sld [smem:$0x3FD9]  }
0x89: {  	s3 =	sld [smem:$0x3FFE];
	_ =	sdelay $0x1  }
0x8a: {  	s1 =	srdreg.scid  }
0x8b: {  	s0 =	sand.u32 $0x1, s1  }
0x8c: {  	s17 =	sshll.u32 s0, $0xA;
	s2 =	sadd.s32 s3, s2  }
0x8d: {  	s2 =	sadd.s32 s2, s17  }
0x8e: {  	[smem:$0x3FC6] =	sst s2  }
0x8f: {  	_ = 	snop  }
0x90: {  	s2 =	sld [smem:$0x3FC9]  }
0x91: {  	s18 =	sld [smem:$0x3FC8];
	(tm) =	ssettm $0x1  }
0x92: {  	s4 =	sld [smem:$0x3FFB];
	_ =	sdelay $0x3  }
0x93: {  	_ =	strace s4  }
0x94: {  	s4 =	sld [smem:$0x3FFC];
	_ =	sdelay $0x3  }
0x95: {  	_ =	strace s4  }
0x96: {  	s4 =	sld [smem:$0x3FFD];
	_ =	sdelay $0x3  }
0x97: {  	_ =	strace s4  }
0x98: {  	_ =	strace $0x8FFFFFFF  }
0x99: {  	s19 =	sld [smem:$0x3FDB];
	_ =	sdelay $0x1  }
0x9a: {  	s5 =	simm.s32 $_scs_section_size  }
0x9b: {  	s6 =	simm.s32 $_size__tile_overlayer_lowered;
	s7 =	simm.s32 $_tile_overlayer_lowered  }
0x9c: {  	s22 =	simm.s32 $0x1BFF;
	s21 =	sshll.u32 s7, $0x1;
	s4 =	sadd.s32 s5, s19  }
0x9d: {  	s8 =	simm.s32 $0x0;
	s20 =	sshll.u32 s6, $0x1;
	s6 =	sadd.s32 s21, s4  }
0x9e: {  	[timem:s8], [sflag:s22] =	dma.local [hbm:s6], s20  }
0x9f: {  	_ =	swait.ge [sflag:s22], s20  }
0xa0: {  	s5 =	ssub.s32 $0x0, s20;
	[sflag:s22] =	ssyncset.done $0x0  }
0xa1: {  	[sflag:s22] =	ssyncadd.s32 s5;
	_ =	sdelay $0x1  }
0xa2: {  	s23 =	simm.s32 $0x1B8B  }
0xa3: {  	_ =	swait.ge [sflag:s23], $0x1  }
0xa4: {  	[sflag:s23] =	ssyncset.done $0x0  }
0xa5: {  	s25 =	simm.s32 $0x1B8E;
	s24 =	sld [smem:$0x3FFE];
	[sflag:s23] =	ssyncadd.s32 $0xFFFFFFFF  }
0xa6: {  	s26 =	simm.s32 $execute0_lowered;
	[smem:$0x3FD2] =	sst s25  }
0xa7: {  	s6 =	sshll.u32 s26, $0x1;
	_ =	strace $0x80000046;
	[dreg:$0x1] =	wrdreg $0xFFFFFFFF  }
0xa8: {  	s28 =	simm.s32 $_size_execute0_lowered;
	s4 =	sadd.s32 s4, s6;
	[dreg:$0x0] =	wrdreg $0x0  }
0xa9: {  	s6 =	sshll.u32 s28, $0x1;
	[dreg:$0x2] =	wrdreg s4  }
0xaa: {  	[dreg:$0x3] =	wrdreg s6  }
0xab: {  	[dreg:$0x4] =	wrdreg $0xC0  }
0xac: {  	_ =	task [dreg:s8], $0x5FFFF  }
0xad: {  	[dreg:$0x1] =	wrdreg $0xFFFFFFFF  }
0xae: {  	[dreg:$0x0] =	wrdreg $0x60  }
0xaf: {  	[dreg:$0x2] =	wrdreg s2  }
0xb0: {  	[dreg:$0x3] =	wrdreg s18  }
0xb1: {  	[dreg:$0x4] =	wrdreg s24  }
0xb2: {  	[dreg:$0x5] =	wrdreg $0x9  }
0xb3: {  	_ =	task.clear_ibuf [dreg:s8], $0x6FFFF;
	_ =	strace $0x90000046  }
0xb4: {  	s29 =	simm.s32 $0x9;
	_ =	strace $0x80000048  }
0xb5: {  	_ =	swait.ge [sflag:s29], $0x1  }
0xb6: {  	[sflag:s29] =	ssyncadd.s32 $0xFFFFFFFF  }
0xb7: {  	_ =	strace $0x90000048  }
0xb8: {  	_ =	sfence  }
0xb9: {  	s30 =	sld [smem:$0x0];
	_ =	sdelay $0x2  }
0xba: {  	s31 =	sshll.u32 s1, $0xD;
	s1 =	sshrl.u32 s1, $0x2  }
0xbb: {  	s3 =	sand.u32 $0x4000, s31;
	s1 =	sadd.s32 s1, s30  }
0xbc: {  	s0 =	sor.u32 s3, s0;
	s1 =	sshll.u32 s1, $0x11  }
0xbd: {  	s0 =	sor.u32 s1, s0  }
0xbe: {  	s0 =	sadd.s32 $0x8F2B, s0  }
0xbf: {  	[sflag:s0] =	ssyncadd.remote.s32 $0x1  }
0xc0: {  	_ =	sfence.sel $0xFFFF  }
0xc1: {  	[dreg:$0x0] =	wrdreg $0xFFFFFFFF;
	(pc) =	sbr.abs _section_cstart, $3  }
0xc2: {  	[dreg:$0x1] =	wrdreg $0xFFFFFFFF  }
0xc3: {  	_ =	task.clear_ibuf [dreg:s8], $0x2FFFF;
	_ =	strace $0x9FFFFFFF  }
0xc4: {  	(tm) =	ssettm $0x7FFFFFFF  }
0xc5: {  	_ =	shalt  }
tec
execute0_lowered:
.L_overlay_start_1:
0x0: {  	(tag) =	ssettag $0x1  }
0x1: {  	s8 =	rddreg [dreg:$0x0]  }
0x2: {  	s9 =	rddreg [dreg:$0x1]  }
0x3: {  	s1 =	srdreg.scid;
	s0 =	stileid.u32  }
0x4: {  	s2 =	rddreg [dreg:$0x2];
	s3 =	simm.s32 $0x0;
	s13 =	simm.s32 $0x5  }
0x5: {  	s14 =	simm.s32 $0xB600;
	s15 =	simm.s32 $0x5B00;
	s16 =	simm.s32 $0x11100  }
0x6: {  	s17 =	simm.s32 $0x1;
	s18 =	simm.s32 $0x3;
	s19 =	simm.s32 $0x2  }
0x7: {  	s20 =	simm.s32 $0x4;
	s21 =	simm.s32 $0x1AC00;
	s22 =	simm.s32 $0x0  }
0x8: {  	s4 =	sand.u32 $0x1, s1;
	s5 =	sshll.u32 s0, $0x1;
	s1 =	rddreg [dreg:$0x3]  }
0x9: {  	[smem:$0x7FF] =	sst s3;
	s5 =	sor.u32 s4, s5;
	s4 =	ssub.s32 $0x2, s4  }
0xa: {  	s6 =	smul.u32 $0x11100, s5;
	s5 =	sshll.u32 s5, $0x4;
	s7 =	sshrl.u32 s4, $0x1  }
0xb: {  	_ =	strace $0x80000047;
	s10 =	sadd.s32 s5, s2;
	s11 =	ssub.s32 s4, s7  }
0xc: {  	s12 =	sshrl.u32 s6, $0x3;
	s10 =	sadd.s32 $0x800, s10;
	s11 =	smax.u32 s11, $0x1  }
0xd: {  	s4 =	sadd.s32 s8, s12;
	s5 =	sadd.s32 s9, s12;
	s31 =	sadd.s32 $0xB60, s12  }
0xe: {  	s12 =	sadd.s32 $0x16C0, s12;
	s6 =	sadd.s32 s8, s31;
	s7 =	sadd.s32 s9, s31  }
0xf: {  	s8 =	sadd.s32 s8, s12;
	s9 =	sadd.s32 s9, s12;
	s12 =	simm.s32 $0x16C00  }
.LBB2_1:
0x10: {  	[tilespmem:s12], [sflag:$0x5] =	stream.linear.gather [hbm4b:s2+s3], $0x4000, $0x38;
	[tilespmem:$0x1AC80] =	vst v63  }
0x11: {  	_ =	swait.ge [sflag:s13], $0x4000  }
0x12: {  	[sflag:s13] =	ssyncset.done $0x0  }
0x13: {  	[sflag:s13] =	ssyncadd.s32 $0xFFFFC000  }
0x14: {  	[tilespmem:s3], [sflag:$0x1] =	stream.linear.gather [hbm4b:s4+s3], $0x5B00, $0x38;
	[tilespmem:$0x1AC80] =	vst v63  }
0x15: {  	_ = 	snop  }
0x16: {  	[tilespmem:s14], [sflag:$0x3] =	stream.linear.gather [hbm4b:s5+s3], $0x5B00, $0x38;
	[tilespmem:$0x1AC80] =	vst v63  }
0x17: {  	_ = 	snop  }
0x18: {  	[tilespmem:s15], [sflag:$0x2] =	stream.linear.gather [hbm4b:s6+s3], $0x5B00, $0x38;
	[tilespmem:$0x1AC80] =	vst v63  }
0x19: {  	_ = 	snop  }
0x1a: {  	[tilespmem:s16], [sflag:$0x4] =	stream.linear.gather [hbm4b:s7+s3], $0x5B00, $0x38;
	[tilespmem:$0x1AC80] =	vst v63  }
0x1b: {  	_ =	swait.ge [sflag:s17], $0x5B00  }
0x1c: {  	[sflag:s17] =	ssyncset.done $0x0  }
0x1d: {  	[sflag:s17] =	ssyncadd.s32 $0xFFFFA500  }
0x1e: {  	_ =	swait.ge [sflag:s18], $0x5B00  }
0x1f: {  	[sflag:s18] =	ssyncset.done $0x0  }
0x20: {  	s24 =	simm.s32 $0x0;
	[sflag:s18] =	ssyncadd.s32 $0xFFFFA500  }
0x21: {  	v5 =	vld [tilespmem:s24+$0x20]  }
0x22: {  	v4 =	vld [tilespmem:s24+$0x30]  }
0x23: {  	v8 =	vld [tilespmem:s24+$0x0]  }
0x24: {  	v7 =	vld [tilespmem:s24+$0x10];
	_ =	sdelay $0x2  }
0x25: {  	v0 =	vshra.s32 v5, $0x10  }
0x26: {  	v2 =	vshra.s32 v4, $0x10;
	v1 =	vshra.s32 v8, $0x10;
	vm0 =	vgt.s32 v0, $0x2000  }
0x27: {  	v3 =	vshra.s32 v7, $0x10;
	vm1 =	vgt.s32 v1, $0x2000;
	v6 =	vnsel vm0, $0x2000, v0  }
0x28: {  	s23 =	simm.s32 $0x40;
	vm0 =	vgt.s32 v3, $0x2000;
	v9 =	vnsel vm1, $0x2000, v1;
	v12 =	vmin.u32 v6, $0x3FFF  }
0x29: {  	v10 =	vld [tilespmem:s23+$0x10];
	vm1 =	vgt.s32 v2, $0x2000;
	v3 =	vnsel vm0, $0x2000, v3;
	v6 =	vmin.u32 v9, $0x3FFF  }
0x2a: {  	v0 =	vld [tilespmem:s23+$0x20];
	v2 =	vnsel vm1, $0x2000, v2;
	v16 =	vmin.u32 v3, $0x3FFF  }
0x2b: {  	v1 =	vld [tilespmem:s23+$0x30];
	v13 =	vmin.u32 v2, $0x3FFF  }
0x2c: {  	v9 =	vld [tilespmem:s23+$0x0]  }
0x2d: {  	v11 =	vld.idx.msk [tilespmem:v12+s12+$0x0], $0xffff  }
0x2e: {  	v17 =	vld.idx.msk [tilespmem:v6+s12+$0x0], $0xffff  }
0x2f: {  	v19 =	vshra.s32 v10, $0x10;
	v18 =	vld.idx.msk [tilespmem:v16+s12+$0x0], $0xffff  }
0x30: {  	v2 =	vimm.f32 $0.0e+00;
	v22 =	vand.u32 $0x1FFF, v6;
	v3 =	vimm.f32 $0.0e+00;
	v14 =	vld.idx.msk [tilespmem:v13+s12+$0x0], $0xffff  }
0x31: {  	v21 =	vshra.s32 v0, $0x10;
	v15 =	vshra.s32 v1, $0x10;
	v20 =	vshra.s32 v9, $0x10  }
0x32: {  	s25 =	simm.s32 $0x200;
	vm2 =	vgt.s32 v21, $0x2000;
	vm1 =	vgt.s32 v15, $0x2000;
	v6 =	vld [tilespmem:s24+$0xB620];
	vm0 =	vgt.s32 v20, $0x2000  }
.LBB2_2:
0x33: {  	p0 =	sne.s32 s25, $0x16B00;
	vm3 =	vgt.s32 v19, $0x2000;
	v21 =	vnsel vm2, $0x2000, v21;
	v23 =	vld [tilespmem:s24+$0xB600];
	v16 =	vand.u32 $0x1FFF, v16  }
0x34: {  	s26 =	sshra.s32 s25, $0x2;
	v17 =	vmul.f32 v17, v8;
	v18 =	vmul.f32 v18, v7;
	v25 =	vand.u32 $0x1FFF, v12;
	v8 =	vmovc v9;
	v7 =	vmovc v10;
	v24 =	vld [tilespmem:s24+$0xB610]  }
0x35: {  	v9 =	vmul.f32 v11, v5;
	v10 =	vand.u32 $0x1FFF, v13;
	v5 =	vmovc v0;
	v11 =	vmul.f32 v14, v4;
	v4 =	vmovc v1;
	v0 =	vld [tilespmem:s26+$0x20]  }
0x36: {  	v13 =	vnsel vm1, $0x2000, v15;
	v14 =	vadd.f32 $-1.000000000e+00, v17;
	v15 =	vadd.f32 $-1.000000000e+00, v18;
	v1 =	vld [tilespmem:s26+$0x30]  }
0x37: {  	v17 =	vnsel vm0, $0x2000, v20;
	v20 =	vadd.f32 $-1.000000000e+00, v9;
	v11 =	vadd.f32 $-1.000000000e+00, v11;
	v18 =	vld.idx.msk [tilespmem:v22+s12+$0x0], $0xffff  }
0x38: {  	v19 =	vnsel vm3, $0x2000, v19;
	v9 =	vmul.f32 v14, v14;
	v22 =	vld.idx.msk [tilespmem:v16+s12+$0x0], $0xffff;
	v16 =	vmul.f32 v15, v15  }
0x39: {  	v12 =	vmin.u32 v21, $0x3FFF;
	v21 =	vmul.f32 v20, v20;
	v26 =	vmul.f32 v11, v11;
	v25 =	vld.idx.msk [tilespmem:v25+s12+$0x0], $0xffff  }
0x3a: {  	v27 =	vmin.u32 v17, $0x3FFF;
	v17 =	vmul.f32 $5.000000000e-01, v9;
	v28 =	vmul.f32 $5.000000000e-01, v16;
	v29 =	vld.idx.msk [tilespmem:v10+s12+$0x0], $0xffff  }
0x3b: {  	v16 =	vmin.u32 v19, $0x3FFF;
	v19 =	vmul.f32 $5.000000000e-01, v21;
	v21 =	vmul.f32 $5.000000000e-01, v26;
	v9 =	vld [tilespmem:s26+$0x0]  }
0x3c: {  	v13 =	vmin.u32 v13, $0x3FFF;
	v14 =	vsub.f32 v14, v17;
	v10 =	vld [tilespmem:s26+$0x10];
	v15 =	vsub.f32 v15, v28  }
0x3d: {  	v19 =	vsub.f32 v20, v19;
	v20 =	vsub.f32 v11, v21;
	v26 =	vld [tilespmem:s24+$0xB630];
	s24 =	smov.u32 s23;
	s23 =	smov.u32 s26  }
0x3e: {  	v14 =	vadd.f32 v14, v18;
	v11 =	vld.idx.msk [tilespmem:v12+s12+$0x0], $0xffff;
	v22 =	vadd.f32 v15, v22  }
0x3f: {  	v21 =	vshra.s32 v0, $0x10;
	v15 =	vshra.s32 v1, $0x10;
	v25 =	vadd.f32 v19, v25;
	v17 =	vld.idx.msk [tilespmem:v27+s12+$0x0], $0xffff  }
.Ltmp0:
0x40: {  	v23 =	vmul.f32 v14, v23;
	v18 =	vld.idx.msk [tilespmem:v16+s12+$0x0], $0xffff;
	v22 =	vmul.f32 v22, v24;
	v24 =	vadd.f32 v20, v29;
	(pc) =	sbr.rel @p0 .LBB2_2-.Ltmp0, $4  }
0x41: {  	v20 =	vshra.s32 v9, $0x10;
	v25 =	vmul.f32 v25, v6;
	v19 =	vshra.s32 v10, $0x10;
	v14 =	vld.idx.msk [tilespmem:v13+s12+$0x0], $0xffff  }
0x42: {  	v2 =	vadd.f32 v23, v2;
	v3 =	vadd.f32 v22, v3;
	v23 =	vmul.f32 v24, v26  }
0x43: {  	vm2 =	vgt.s32 v21, $0x2000;
	vm1 =	vgt.s32 v15, $0x2000;
	vm0 =	vgt.s32 v20, $0x2000  }
0x44: {  	s25 =	sadd.s32 $0x100, s25;
	v22 =	vand.u32 $0x1FFF, v27;
	v2 =	vadd.f32 v25, v2;
	v6 =	vld [tilespmem:s24+$0xB620];
	v3 =	vadd.f32 v23, v3  }
0x45: {  	_ =	sdelay $0x1  }
0x46: {  	v23 =	vld [tilespmem:s24+$0xB600]  }
0x47: {  	v24 =	vld [tilespmem:s24+$0xB610]  }
0x48: {  	v22 =	vld.idx.msk [tilespmem:v22+s12+$0x0], $0xffff  }
0x49: {  	v16 =	vand.u32 $0x1FFF, v16;
	v25 =	vld [tilespmem:s24+$0xB630]  }
0x4a: {  	v12 =	vand.u32 $0x1FFF, v12;
	v20 =	vnsel vm0, $0x2000, v20;
	v7 =	vmul.f32 v18, v7;
	v18 =	vld [tilespmem:s23+$0xB620]  }
0x4b: {  	v21 =	vnsel vm2, $0x2000, v21;
	v29 =	vld [tilespmem:s23+$0xB600];
	v20 =	vmin.u32 v20, $0x3FFF  }
0x4c: {  	vm2 =	vgt.s32 v19, $0x2000;
	v15 =	vnsel vm1, $0x2000, v15;
	v30 =	vld [tilespmem:s23+$0xB610];
	v21 =	vmin.u32 v21, $0x3FFF  }
0x4d: {  	v32 =	vld [tilespmem:s23+$0xB630];
	v19 =	vnsel vm2, $0x2000, v19;
	v15 =	vmin.u32 v15, $0x3FFF  }
0x4e: {  	v19 =	vmin.u32 v19, $0x3FFF;
	v16 =	vld.idx.msk [tilespmem:v16+s12+$0x0], $0xffff  }
0x4f: {  	v13 =	vand.u32 $0x1FFF, v13;
	v8 =	vmul.f32 v17, v8;
	v12 =	vld.idx.msk [tilespmem:v12+s12+$0x0], $0xffff  }
0x50: {  	v27 =	vld.idx.msk [tilespmem:v20+s12+$0x0], $0xffff;
	v20 =	vand.u32 $0x1FFF, v20  }
0x51: {  	v8 =	vadd.f32 $-1.000000000e+00, v8;
	v26 =	vld.idx.msk [tilespmem:v21+s12+$0x0], $0xffff;
	v21 =	vand.u32 $0x1FFF, v21  }
0x52: {  	v5 =	vmul.f32 v11, v5;
	v7 =	vadd.f32 $-1.000000000e+00, v7;
	v17 =	vld.idx.msk [tilespmem:v15+s12+$0x0], $0xffff;
	v15 =	vand.u32 $0x1FFF, v15  }
0x53: {  	v11 =	vmul.f32 v8, v8;
	v28 =	vld.idx.msk [tilespmem:v19+s12+$0x0], $0xffff;
	v19 =	vand.u32 $0x1FFF, v19  }
0x54: {  	v4 =	vmul.f32 v14, v4;
	v5 =	vadd.f32 $-1.000000000e+00, v5;
	v14 =	vmul.f32 v7, v7;
	v13 =	vld.idx.msk [tilespmem:v13+s12+$0x0], $0xffff  }
0x55: {  	v11 =	vmul.f32 $5.000000000e-01, v11;
	v20 =	vld.idx.msk [tilespmem:v20+s12+$0x0], $0xffff  }
0x56: {  	v4 =	vadd.f32 $-1.000000000e+00, v4;
	v31 =	vmul.f32 v5, v5;
	v14 =	vmul.f32 $5.000000000e-01, v14;
	v21 =	vld.idx.msk [tilespmem:v21+s12+$0x0], $0xffff  }
0x57: {  	s31 =	simm.s32 $0x0;
	v8 =	vsub.f32 v8, v11;
	v15 =	vld.idx.msk [tilespmem:v15+s12+$0x0], $0xffff  }
0x58: {  	v7 =	vsub.f32 v7, v14;
	v11 =	vmul.f32 v4, v4;
	v14 =	vmul.f32 $5.000000000e-01, v31;
	v19 =	vld.idx.msk [tilespmem:v19+s12+$0x0], $0xffff;
	[tilespmem:s31], [sflag:$0x1] =	stream.linear.gather [hbm4b:s8+s31], $0x5B00, $0x38  }
0x59: {  	v8 =	vadd.f32 v8, v22  }
0x5a: {  	v11 =	vmul.f32 $5.000000000e-01, v11;
	v5 =	vsub.f32 v5, v14;
	v9 =	vmul.f32 v27, v9;
	[tilespmem:s14], [sflag:$0x3] =	stream.linear.gather [hbm4b:s9+s31], $0x5B00, $0x38;
	[tilespmem:$0x1AC80] =	vst v63  }
0x5b: {  	v7 =	vadd.f32 v7, v16;
	v0 =	vmul.f32 v26, v0;
	v1 =	vmul.f32 v17, v1;
	_ =	swait.ge [sflag:s19], $0x5B00  }
0x5c: {  	v4 =	vsub.f32 v4, v11;
	v5 =	vadd.f32 v5, v12;
	v10 =	vmul.f32 v28, v10;
	[sflag:s19] =	ssyncset.done $0x0  }
0x5d: {  	v8 =	vmul.f32 v8, v23;
	v9 =	vadd.f32 $-1.000000000e+00, v9;
	v0 =	vadd.f32 $-1.000000000e+00, v0;
	[sflag:s19] =	ssyncadd.s32 $0xFFFFA500  }
0x5e: {  	v7 =	vmul.f32 v7, v24;
	v1 =	vadd.f32 $-1.000000000e+00, v1;
	v10 =	vadd.f32 $-1.000000000e+00, v10;
	_ =	swait.ge [sflag:s20], $0x5B00  }
0x5f: {  	v4 =	vadd.f32 v4, v13;
	v5 =	vmul.f32 v5, v6;
	v6 =	vmul.f32 v9, v9;
	[sflag:s20] =	ssyncset.done $0x0  }
0x60: {  	s24 =	simm.s32 $0x0;
	v8 =	vadd.f32 v8, v2;
	v12 =	vmul.f32 v0, v0;
	v11 =	vmul.f32 v10, v10;
	[sflag:s20] =	ssyncadd.s32 $0xFFFFA500  }
0x61: {  	v7 =	vadd.f32 v7, v3;
	v13 =	vmul.f32 v1, v1;
	v4 =	vmul.f32 v4, v25;
	v2 =	vld [tilespmem:s24+$0x5B20]  }
0x62: {  	v5 =	vadd.f32 v5, v8;
	v14 =	vmul.f32 $5.000000000e-01, v6;
	v8 =	vmul.f32 $5.000000000e-01, v11;
	v3 =	vld [tilespmem:s24+$0x5B30]  }
0x63: {  	v11 =	vmul.f32 $5.000000000e-01, v12;
	v12 =	vmul.f32 $5.000000000e-01, v13;
	v6 =	vld [tilespmem:s24+$0x5B00]  }
0x64: {  	v4 =	vadd.f32 v4, v7;
	v8 =	vsub.f32 v10, v8;
	v7 =	vld [tilespmem:s24+$0x5B10]  }
0x65: {  	v0 =	vsub.f32 v0, v11;
	v10 =	vsub.f32 v1, v12  }
0x66: {  	v9 =	vsub.f32 v9, v14;
	v8 =	vadd.f32 v8, v19  }
0x67: {  	v12 =	vadd.f32 v0, v21;
	v15 =	vadd.f32 v10, v15;
	v0 =	vshra.s32 v2, $0x10  }
0x68: {  	v13 =	vshra.s32 v3, $0x10;
	v1 =	vshra.s32 v6, $0x10;
	vm0 =	vgt.s32 v0, $0x2000  }
0x69: {  	v14 =	vshra.s32 v7, $0x10;
	vm1 =	vgt.s32 v1, $0x2000;
	v11 =	vnsel vm0, $0x2000, v0  }
0x6a: {  	s23 =	simm.s32 $0x40;
	vm0 =	vgt.s32 v14, $0x2000;
	v16 =	vnsel vm1, $0x2000, v1;
	v11 =	vmin.u32 v11, $0x3FFF  }
0x6b: {  	v10 =	vld [tilespmem:s23+$0x5B10];
	vm1 =	vgt.s32 v13, $0x2000;
	v14 =	vnsel vm0, $0x2000, v14;
	v22 =	vmin.u32 v16, $0x3FFF  }
0x6c: {  	v9 =	vadd.f32 v9, v20;
	v0 =	vld [tilespmem:s23+$0x5B20];
	v13 =	vnsel vm1, $0x2000, v13;
	v14 =	vmin.u32 v14, $0x3FFF  }
0x6d: {  	v8 =	vmul.f32 v8, v30;
	v1 =	vld [tilespmem:s23+$0x5B30];
	v13 =	vmin.u32 v13, $0x3FFF  }
0x6e: {  	v16 =	vmul.f32 v9, v29;
	v9 =	vld [tilespmem:s23+$0x5B00]  }
0x6f: {  	v17 =	vmul.f32 v12, v18;
	v4 =	vadd.f32 v8, v4;
	v8 =	vmul.f32 v15, v32;
	v12 =	vld.idx.msk [tilespmem:v11+s12+$0x0], $0xffff  }
0x70: {  	v5 =	vadd.f32 v16, v5;
	v18 =	vld.idx.msk [tilespmem:v22+s12+$0x0], $0xffff  }
0x71: {  	v4 =	vadd.f32 v8, v4;
	v19 =	vld.idx.msk [tilespmem:v14+s12+$0x0], $0xffff  }
0x72: {  	v5 =	vadd.f32 v17, v5;
	v21 =	vshra.s32 v0, $0x10;
	v16 =	vshra.s32 v1, $0x10;
	v15 =	vld.idx.msk [tilespmem:v13+s12+$0x0], $0xffff  }
0x73: {  	v17 =	vshra.s32 v10, $0x10;
	v20 =	vshra.s32 v9, $0x10;
	vm2 =	vgt.s32 v21, $0x2000  }
0x74: {  	s25 =	simm.s32 $0x200;
	v8 =	vld [tilespmem:s24+$0x11120];
	vm1 =	vgt.s32 v16, $0x2000;
	v22 =	vand.u32 $0x1FFF, v22;
	vm0 =	vgt.s32 v20, $0x2000  }
.LBB2_4:
0x75: {  	p0 =	sne.s32 s25, $0x16B00;
	vm3 =	vgt.s32 v17, $0x2000;
	v21 =	vnsel vm2, $0x2000, v21;
	v23 =	vld [tilespmem:s24+$0x11100];
	v14 =	vand.u32 $0x1FFF, v14  }
0x76: {  	s26 =	sshra.s32 s25, $0x2;
	v18 =	vmul.f32 v18, v6;
	v19 =	vmul.f32 v19, v7;
	v25 =	vand.u32 $0x1FFF, v11;
	v6 =	vmovc v9;
	v7 =	vmovc v10;
	v24 =	vld [tilespmem:s24+$0x11110]  }
0x77: {  	v9 =	vmul.f32 v12, v2;
	v10 =	vand.u32 $0x1FFF, v13;
	v2 =	vmovc v0;
	v11 =	vmul.f32 v15, v3;
	v3 =	vmovc v1;
	v0 =	vld [tilespmem:s26+$0x5B20]  }
0x78: {  	v12 =	vnsel vm1, $0x2000, v16;
	v15 =	vadd.f32 $-1.000000000e+00, v18;
	v16 =	vadd.f32 $-1.000000000e+00, v19;
	v1 =	vld [tilespmem:s26+$0x5B30]  }
0x79: {  	v13 =	vnsel vm0, $0x2000, v20;
	v19 =	vadd.f32 $-1.000000000e+00, v9;
	v20 =	vadd.f32 $-1.000000000e+00, v11;
	v18 =	vld.idx.msk [tilespmem:v22+s12+$0x0], $0xffff  }
0x7a: {  	v17 =	vnsel vm3, $0x2000, v17;
	v9 =	vmul.f32 v15, v15;
	v22 =	vld.idx.msk [tilespmem:v14+s12+$0x0], $0xffff;
	v14 =	vmul.f32 v16, v16  }
0x7b: {  	v11 =	vmin.u32 v21, $0x3FFF;
	v21 =	vmul.f32 v19, v19;
	v26 =	vmul.f32 v20, v20;
	v25 =	vld.idx.msk [tilespmem:v25+s12+$0x0], $0xffff  }
0x7c: {  	v27 =	vmin.u32 v13, $0x3FFF;
	v28 =	vmul.f32 $5.000000000e-01, v9;
	v29 =	vmul.f32 $5.000000000e-01, v14;
	v30 =	vld.idx.msk [tilespmem:v10+s12+$0x0], $0xffff  }
0x7d: {  	v14 =	vmin.u32 v17, $0x3FFF;
	v17 =	vmul.f32 $5.000000000e-01, v21;
	v21 =	vmul.f32 $5.000000000e-01, v26;
	v9 =	vld [tilespmem:s26+$0x5B00]  }
0x7e: {  	v13 =	vmin.u32 v12, $0x3FFF;
	v15 =	vsub.f32 v15, v28;
	v10 =	vld [tilespmem:s26+$0x5B10];
	v16 =	vsub.f32 v16, v29  }
0x7f: {  	v17 =	vsub.f32 v19, v17;
	v20 =	vsub.f32 v20, v21;
	v26 =	vld [tilespmem:s24+$0x11130];
	s24 =	smov.u32 s23;
	s23 =	smov.u32 s26  }
0x80: {  	v15 =	vadd.f32 v15, v18;
	v12 =	vld.idx.msk [tilespmem:v11+s12+$0x0], $0xffff;
	v22 =	vadd.f32 v16, v22  }
0x81: {  	v21 =	vshra.s32 v0, $0x10;
	v16 =	vshra.s32 v1, $0x10;
	v25 =	vadd.f32 v17, v25;
	v18 =	vld.idx.msk [tilespmem:v27+s12+$0x0], $0xffff  }
.Ltmp1:
0x82: {  	v23 =	vmul.f32 v15, v23;
	v19 =	vld.idx.msk [tilespmem:v14+s12+$0x0], $0xffff;
	v22 =	vmul.f32 v22, v24;
	v24 =	vadd.f32 v20, v30;
	(pc) =	sbr.rel @p0 .LBB2_4-.Ltmp1, $4  }
0x83: {  	v20 =	vshra.s32 v9, $0x10;
	v25 =	vmul.f32 v25, v8;
	v17 =	vshra.s32 v10, $0x10;
	v15 =	vld.idx.msk [tilespmem:v13+s12+$0x0], $0xffff  }
0x84: {  	v5 =	vadd.f32 v23, v5;
	v4 =	vadd.f32 v22, v4;
	v23 =	vmul.f32 v24, v26  }
0x85: {  	vm2 =	vgt.s32 v21, $0x2000;
	vm1 =	vgt.s32 v16, $0x2000;
	vm0 =	vgt.s32 v20, $0x2000  }
0x86: {  	s25 =	sadd.s32 $0x100, s25;
	v22 =	vand.u32 $0x1FFF, v27;
	v5 =	vadd.f32 v25, v5;
	v8 =	vld [tilespmem:s24+$0x11120];
	v4 =	vadd.f32 v23, v4  }
0x87: {  	_ =	sdelay $0x1  }
0x88: {  	v23 =	vld [tilespmem:s24+$0x11100]  }
0x89: {  	v24 =	vld [tilespmem:s24+$0x11110]  }
0x8a: {  	v14 =	vand.u32 $0x1FFF, v14;
	v22 =	vld.idx.msk [tilespmem:v22+s12+$0x0], $0xffff  }
0x8b: {  	v11 =	vand.u32 $0x1FFF, v11;
	v25 =	vld [tilespmem:s24+$0x11130]  }
0x8c: {  	v13 =	vand.u32 $0x1FFF, v13;
	v20 =	vnsel vm0, $0x2000, v20;
	v7 =	vmul.f32 v19, v7;
	v28 =	vld [tilespmem:s23+$0x11120]  }
0x8d: {  	v21 =	vnsel vm2, $0x2000, v21;
	vm2 =	vgt.s32 v17, $0x2000;
	v29 =	vld [tilespmem:s23+$0x11100];
	v20 =	vmin.u32 v20, $0x3FFF  }
0x8e: {  	v16 =	vnsel vm1, $0x2000, v16;
	v30 =	vld [tilespmem:s23+$0x11110];
	v21 =	vmin.u32 v21, $0x3FFF;
	v7 =	vadd.f32 $-1.000000000e+00, v7  }
0x8f: {  	v6 =	vmul.f32 v18, v6;
	v17 =	vnsel vm2, $0x2000, v17;
	v16 =	vmin.u32 v16, $0x3FFF;
	v14 =	vld.idx.msk [tilespmem:v14+s12+$0x0], $0xffff  }
0x90: {  	v3 =	vmul.f32 v15, v3;
	v17 =	vmin.u32 v17, $0x3FFF;
	v15 =	vmul.f32 v7, v7;
	v11 =	vld.idx.msk [tilespmem:v11+s12+$0x0], $0xffff  }
0x91: {  	v6 =	vadd.f32 $-1.000000000e+00, v6;
	v13 =	vld.idx.msk [tilespmem:v13+s12+$0x0], $0xffff  }
0x92: {  	v19 =	vld.idx.msk [tilespmem:v20+s12+$0x0], $0xffff;
	v20 =	vand.u32 $0x1FFF, v20;
	v15 =	vmul.f32 $5.000000000e-01, v15  }
0x93: {  	v2 =	vmul.f32 v12, v2;
	v12 =	vmul.f32 v6, v6;
	v18 =	vld.idx.msk [tilespmem:v21+s12+$0x0], $0xffff;
	v21 =	vand.u32 $0x1FFF, v21  }
0x94: {  	v27 =	vld.idx.msk [tilespmem:v16+s12+$0x0], $0xffff;
	v16 =	vand.u32 $0x1FFF, v16;
	v7 =	vsub.f32 v7, v15  }
0x95: {  	v2 =	vadd.f32 $-1.000000000e+00, v2;
	v12 =	vmul.f32 $5.000000000e-01, v12;
	v26 =	vld.idx.msk [tilespmem:v17+s12+$0x0], $0xffff;
	v17 =	vand.u32 $0x1FFF, v17  }
0x96: {  	v3 =	vadd.f32 $-1.000000000e+00, v3;
	v7 =	vadd.f32 v7, v14;
	v14 =	vld [tilespmem:s23+$0x11130]  }
0x97: {  	v6 =	vsub.f32 v6, v12;
	v12 =	vmul.f32 v2, v2;
	v20 =	vld.idx.msk [tilespmem:v20+s12+$0x0], $0xffff  }
0x98: {  	v15 =	vmul.f32 v3, v3;
	v21 =	vld.idx.msk [tilespmem:v21+s12+$0x0], $0xffff  }
0x99: {  	v12 =	vmul.f32 $5.000000000e-01, v12;
	v16 =	vld.idx.msk [tilespmem:v16+s12+$0x0], $0xffff  }
0x9a: {  	v6 =	vadd.f32 v6, v22;
	v15 =	vmul.f32 $5.000000000e-01, v15;
	v9 =	vmul.f32 v19, v9;
	v17 =	vld.idx.msk [tilespmem:v17+s12+$0x0], $0xffff;
	_ =	swait.ge [sflag:s17], $0x5B00  }
0x9b: {  	v0 =	vmul.f32 v18, v0;
	v1 =	vmul.f32 v27, v1;
	v2 =	vsub.f32 v2, v12;
	[sflag:s17] =	ssyncset.done $0x0  }
0x9c: {  	v6 =	vmul.f32 v6, v23;
	v3 =	vsub.f32 v3, v15;
	v9 =	vadd.f32 $-1.000000000e+00, v9;
	[sflag:s17] =	ssyncadd.s32 $0xFFFFA500  }
0x9d: {  	v7 =	vmul.f32 v7, v24;
	v0 =	vadd.f32 $-1.000000000e+00, v0;
	v1 =	vadd.f32 $-1.000000000e+00, v1;
	_ =	swait.ge [sflag:s18], $0x5B00  }
0x9e: {  	v10 =	vmul.f32 v26, v10;
	v2 =	vadd.f32 v2, v11;
	v3 =	vadd.f32 v3, v13;
	[sflag:s18] =	ssyncset.done $0x0  }
0x9f: {  	s24 =	simm.s32 $0x0;
	v6 =	vadd.f32 v6, v5;
	v12 =	vmul.f32 v0, v0;
	v13 =	vmul.f32 v1, v1;
	[sflag:s18] =	ssyncadd.s32 $0xFFFFA500  }
0xa0: {  	v2 =	vmul.f32 v2, v8;
	v8 =	vadd.f32 $-1.000000000e+00, v10;
	v10 =	vmul.f32 v9, v9;
	v5 =	vld [tilespmem:s24+$0x20]  }
0xa1: {  	v7 =	vadd.f32 v7, v4;
	v3 =	vmul.f32 v3, v25;
	v12 =	vmul.f32 $5.000000000e-01, v12;
	v4 =	vld [tilespmem:s24+$0x30]  }
0xa2: {  	v11 =	vmul.f32 v8, v8;
	v10 =	vmul.f32 $5.000000000e-01, v10;
	v2 =	vadd.f32 v2, v6;
	v6 =	vld [tilespmem:s24+$0x0]  }
0xa3: {  	v13 =	vmul.f32 $5.000000000e-01, v13;
	v3 =	vadd.f32 v3, v7;
	v7 =	vld [tilespmem:s24+$0x10];
	v0 =	vsub.f32 v0, v12  }
0xa4: {  	v11 =	vmul.f32 $5.000000000e-01, v11;
	v9 =	vsub.f32 v9, v10  }
0xa5: {  	v10 =	vsub.f32 v1, v13;
	v15 =	vadd.f32 v0, v21  }
0xa6: {  	v8 =	vsub.f32 v8, v11;
	v9 =	vadd.f32 v9, v20  }
0xa7: {  	v16 =	vadd.f32 v10, v16;
	v0 =	vshra.s32 v5, $0x10;
	v11 =	vshra.s32 v4, $0x10  }
0xa8: {  	v1 =	vshra.s32 v6, $0x10;
	v13 =	vshra.s32 v7, $0x10;
	vm0 =	vgt.s32 v0, $0x2000  }
0xa9: {  	v8 =	vadd.f32 v8, v17;
	vm1 =	vgt.s32 v1, $0x2000;
	v12 =	vnsel vm0, $0x2000, v0  }
0xaa: {  	s23 =	simm.s32 $0x40;
	vm0 =	vgt.s32 v13, $0x2000;
	v17 =	vnsel vm1, $0x2000, v1;
	v12 =	vmin.u32 v12, $0x3FFF  }
0xab: {  	v10 =	vld [tilespmem:s23+$0x10];
	vm1 =	vgt.s32 v11, $0x2000;
	v13 =	vnsel vm0, $0x2000, v13;
	v19 =	vmin.u32 v17, $0x3FFF  }
0xac: {  	v0 =	vld [tilespmem:s23+$0x20];
	v11 =	vnsel vm1, $0x2000, v11;
	v13 =	vmin.u32 v13, $0x3FFF  }
0xad: {  	v1 =	vld [tilespmem:s23+$0x30];
	v17 =	vmul.f32 v9, v29;
	v11 =	vmin.u32 v11, $0x3FFF  }
0xae: {  	v9 =	vld [tilespmem:s23+$0x0];
	v8 =	vmul.f32 v8, v30  }
0xaf: {  	v15 =	vmul.f32 v15, v28;
	v14 =	vmul.f32 v16, v14;
	v2 =	vadd.f32 v17, v2;
	v16 =	vld.idx.msk [tilespmem:v12+s12+$0x0], $0xffff  }
0xb0: {  	v8 =	vadd.f32 v8, v3;
	v18 =	vld.idx.msk [tilespmem:v19+s12+$0x0], $0xffff  }
0xb1: {  	v3 =	vadd.f32 v15, v2;
	v20 =	vld.idx.msk [tilespmem:v13+s12+$0x0], $0xffff  }
0xb2: {  	v2 =	vadd.f32 v14, v8;
	v22 =	vshra.s32 v0, $0x10;
	v14 =	vshra.s32 v1, $0x10;
	v21 =	vld.idx.msk [tilespmem:v11+s12+$0x0], $0xffff  }
0xb3: {  	v15 =	vshra.s32 v10, $0x10;
	v17 =	vshra.s32 v9, $0x10;
	vm2 =	vgt.s32 v22, $0x2000  }
0xb4: {  	s25 =	simm.s32 $0x200;
	v8 =	vld [tilespmem:s24+$0xB620];
	vm1 =	vgt.s32 v14, $0x2000;
	v19 =	vand.u32 $0x1FFF, v19;
	vm0 =	vgt.s32 v17, $0x2000  }
.LBB2_6:
0xb5: {  	p0 =	sne.s32 s25, $0x16B00;
	vm3 =	vgt.s32 v15, $0x2000;
	v22 =	vnsel vm2, $0x2000, v22;
	v23 =	vld [tilespmem:s24+$0xB600];
	v13 =	vand.u32 $0x1FFF, v13  }
0xb6: {  	s26 =	sshra.s32 s25, $0x2;
	v18 =	vmul.f32 v18, v6;
	v20 =	vmul.f32 v20, v7;
	v25 =	vand.u32 $0x1FFF, v12;
	v6 =	vmovc v9;
	v7 =	vmovc v10;
	v24 =	vld [tilespmem:s24+$0xB610]  }
0xb7: {  	v9 =	vmul.f32 v16, v5;
	v10 =	vand.u32 $0x1FFF, v11;
	v5 =	vmovc v0;
	v11 =	vmul.f32 v21, v4;
	v4 =	vmovc v1;
	v0 =	vld [tilespmem:s26+$0x20]  }
0xb8: {  	v14 =	vnsel vm1, $0x2000, v14;
	v16 =	vadd.f32 $-1.000000000e+00, v18;
	v18 =	vadd.f32 $-1.000000000e+00, v20;
	v1 =	vld [tilespmem:s26+$0x30]  }
0xb9: {  	v17 =	vnsel vm0, $0x2000, v17;
	v20 =	vadd.f32 $-1.000000000e+00, v9;
	v21 =	vadd.f32 $-1.000000000e+00, v11;
	v19 =	vld.idx.msk [tilespmem:v19+s12+$0x0], $0xffff  }
0xba: {  	v11 =	vnsel vm3, $0x2000, v15;
	v9 =	vmul.f32 v16, v16;
	v15 =	vld.idx.msk [tilespmem:v13+s12+$0x0], $0xffff;
	v13 =	vmul.f32 v18, v18  }
0xbb: {  	v12 =	vmin.u32 v22, $0x3FFF;
	v22 =	vmul.f32 v20, v20;
	v26 =	vmul.f32 v21, v21;
	v25 =	vld.idx.msk [tilespmem:v25+s12+$0x0], $0xffff  }
0xbc: {  	v27 =	vmin.u32 v17, $0x3FFF;
	v17 =	vmul.f32 $5.000000000e-01, v9;
	v28 =	vmul.f32 $5.000000000e-01, v13;
	v29 =	vld.idx.msk [tilespmem:v10+s12+$0x0], $0xffff  }
0xbd: {  	v22 =	vmul.f32 $5.000000000e-01, v22;
	v13 =	vmin.u32 v11, $0x3FFF;
	v26 =	vmul.f32 $5.000000000e-01, v26;
	v9 =	vld [tilespmem:s26+$0x0]  }
0xbe: {  	v11 =	vmin.u32 v14, $0x3FFF;
	v14 =	vsub.f32 v16, v17;
	v10 =	vld [tilespmem:s26+$0x10];
	v17 =	vsub.f32 v18, v28  }
0xbf: {  	v20 =	vsub.f32 v20, v22;
	v21 =	vsub.f32 v21, v26;
	v28 =	vld [tilespmem:s24+$0xB630];
	s24 =	smov.u32 s23;
	s23 =	smov.u32 s26  }
0xc0: {  	v19 =	vadd.f32 v14, v19;
	v16 =	vld.idx.msk [tilespmem:v12+s12+$0x0], $0xffff;
	v15 =	vadd.f32 v17, v15  }
0xc1: {  	v22 =	vshra.s32 v0, $0x10;
	v14 =	vshra.s32 v1, $0x10;
	v25 =	vadd.f32 v20, v25;
	v18 =	vld.idx.msk [tilespmem:v27+s12+$0x0], $0xffff  }
.Ltmp2:
0xc2: {  	v19 =	vmul.f32 v19, v23;
	v20 =	vld.idx.msk [tilespmem:v13+s12+$0x0], $0xffff;
	v23 =	vmul.f32 v15, v24;
	v24 =	vadd.f32 v21, v29;
	(pc) =	sbr.rel @p0 .LBB2_6-.Ltmp2, $4  }
0xc3: {  	v17 =	vshra.s32 v9, $0x10;
	v25 =	vmul.f32 v25, v8;
	v15 =	vshra.s32 v10, $0x10;
	v21 =	vld.idx.msk [tilespmem:v11+s12+$0x0], $0xffff  }
0xc4: {  	v3 =	vadd.f32 v19, v3;
	v2 =	vadd.f32 v23, v2;
	v23 =	vmul.f32 v24, v28  }
0xc5: {  	vm2 =	vgt.s32 v22, $0x2000;
	vm1 =	vgt.s32 v14, $0x2000;
	vm0 =	vgt.s32 v17, $0x2000  }
0xc6: {  	s25 =	sadd.s32 $0x100, s25;
	v19 =	vand.u32 $0x1FFF, v27;
	v3 =	vadd.f32 v25, v3;
	v8 =	vld [tilespmem:s24+$0xB620];
	v2 =	vadd.f32 v23, v2  }
0xc7: {  	v13 =	vand.u32 $0x1FFF, v13  }
0xc8: {  	vm3 =	vgt.s32 v15, $0x2000;
	v22 =	vnsel vm2, $0x2000, v22;
	v12 =	vand.u32 $0x1FFF, v12  }
0xc9: {  	v6 =	vmul.f32 v18, v6;
	v17 =	vnsel vm0, $0x2000, v17;
	v38 =	vmin.u32 v22, $0x3FFF  }
0xca: {  	v7 =	vmul.f32 v20, v7;
	v37 =	vld [tilespmem:s24+$0xB600];
	v15 =	vnsel vm3, $0x2000, v15;
	v17 =	vmin.u32 v17, $0x3FFF  }
0xcb: {  	v5 =	vmul.f32 v16, v5;
	v14 =	vnsel vm1, $0x2000, v14;
	v19 =	vld.idx.msk [tilespmem:v19+s12+$0x0], $0xffff;
	v15 =	vmin.u32 v15, $0x3FFF  }
0xcc: {  	v4 =	vmul.f32 v21, v4;
	v14 =	vmin.u32 v14, $0x3FFF;
	v6 =	vadd.f32 $-1.000000000e+00, v6;
	v13 =	vld.idx.msk [tilespmem:v13+s12+$0x0], $0xffff  }
0xcd: {  	v7 =	vadd.f32 $-1.000000000e+00, v7;
	v5 =	vadd.f32 $-1.000000000e+00, v5;
	v12 =	vld.idx.msk [tilespmem:v12+s12+$0x0], $0xffff  }
0xce: {  	v4 =	vadd.f32 $-1.000000000e+00, v4;
	v40 =	vmul.f32 v6, v6;
	v24 =	vld.idx.msk [tilespmem:v38+s12+$0x0], $0xffff  }
0xcf: {  	v11 =	vand.u32 $0x1FFF, v11;
	v41 =	vmul.f32 v7, v7;
	v23 =	vmul.f32 v5, v5;
	v26 =	vld.idx.msk [tilespmem:v17+s12+$0x0], $0xffff  }
0xd0: {  	v45 =	vand.u32 $0x1FFF, v17;
	v25 =	vmul.f32 v4, v4;
	v21 =	vmul.f32 $5.000000000e-01, v40;
	v42 =	vld.idx.msk [tilespmem:v15+s12+$0x0], $0xffff  }
0xd1: {  	v48 =	vand.u32 $0x1FFF, v38;
	v22 =	vmul.f32 $5.000000000e-01, v41;
	v23 =	vmul.f32 $5.000000000e-01, v23;
	v44 =	vld.idx.msk [tilespmem:v14+s12+$0x0], $0xffff  }
0xd2: {  	v39 =	vld [tilespmem:s24+$0xB610];
	v46 =	vand.u32 $0x1FFF, v15;
	v43 =	vmul.f32 $5.000000000e-01, v25;
	v6 =	vsub.f32 v6, v21  }
0xd3: {  	v14 =	vand.u32 $0x1FFF, v14;
	v7 =	vsub.f32 v7, v22;
	v5 =	vsub.f32 v5, v23  }
0xd4: {  	v11 =	vld.idx.msk [tilespmem:v11+s12+$0x0], $0xffff;
	v4 =	vsub.f32 v4, v43;
	v6 =	vadd.f32 v6, v19;
	v9 =	vmul.f32 v26, v9  }
0xd5: {  	v7 =	vadd.f32 v7, v13;
	v0 =	vmul.f32 v24, v0;
	v10 =	vmul.f32 v42, v10  }
0xd6: {  	v47 =	vld [tilespmem:s24+$0xB630];
	v5 =	vadd.f32 v5, v12;
	v1 =	vmul.f32 v44, v1;
	v6 =	vmul.f32 v6, v37  }
0xd7: {  	v49 =	vld [tilespmem:s23+$0xB600];
	v7 =	vmul.f32 v7, v39;
	v9 =	vadd.f32 $-1.000000000e+00, v9;
	v10 =	vadd.f32 $-1.000000000e+00, v10  }
0xd8: {  	v50 =	vld [tilespmem:s23+$0xB610];
	v5 =	vmul.f32 v5, v8;
	v0 =	vadd.f32 $-1.000000000e+00, v0;
	v1 =	vadd.f32 $-1.000000000e+00, v1  }
0xd9: {  	v51 =	vld.idx.msk [tilespmem:v45+s12+$0x0], $0xffff;
	v4 =	vadd.f32 v4, v11;
	v52 =	vmul.f32 v9, v9;
	v53 =	vmul.f32 v10, v10  }
0xda: {  	v54 =	vld.idx.msk [tilespmem:v46+s12+$0x0], $0xffff;
	v3 =	vadd.f32 v6, v3;
	v55 =	vmul.f32 v0, v0;
	v56 =	vmul.f32 v1, v1  }
0xdb: {  	v57 =	vld.idx.msk [tilespmem:v48+s12+$0x0], $0xffff;
	v2 =	vadd.f32 v7, v2;
	v12 =	vmul.f32 $5.000000000e-01, v52;
	v58 =	vmul.f32 $5.000000000e-01, v53  }
0xdc: {  	v59 =	vld.idx.msk [tilespmem:v14+s12+$0x0], $0xffff;
	v3 =	vadd.f32 v5, v3;
	v13 =	vmul.f32 $5.000000000e-01, v55;
	v60 =	vmul.f32 $5.000000000e-01, v56  }
0xdd: {  	v61 =	vld [tilespmem:s23+$0xB620];
	v9 =	vsub.f32 v9, v12;
	v10 =	vsub.f32 v10, v58  }
0xde: {  	v62 =	vld [tilespmem:s23+$0xB630];
	v4 =	vmul.f32 v4, v47;
	v0 =	vsub.f32 v0, v13;
	v1 =	vsub.f32 v1, v60  }
0xdf: {  	v9 =	vadd.f32 v9, v51;
	v6 =	vadd.f32 v10, v54  }
0xe0: {  	v2 =	vadd.f32 v4, v2;
	v0 =	vadd.f32 v0, v57  }
0xe1: {  	v1 =	vadd.f32 v1, v59;
	v63 =	vmul.f32 v9, v49;
	v6 =	vmul.f32 v6, v50  }
0xe2: {  	v0 =	vmul.f32 v0, v61  }
0xe3: {  	v1 =	vmul.f32 v1, v62;
	v3 =	vadd.f32 v63, v3;
	v2 =	vadd.f32 v6, v2;
	_ =	sdelay $0x1  }
0xe4: {  	v0 =	vadd.f32 v0, v3;
	v1 =	vadd.f32 v1, v2;
	_ =	sdelay $0x1  }
0xe5: {  	s22 =	sadd.s32 $0x1, s22;
	v0 =	vadd.f32 v1, v0  }
0xe6: {  	p0 =	sne.s32 s22, s11  }
.Ltmp3:
0xe7: {  	[tilespmem:$0x1AC00] =	vst v0;
	(pc) =	sbr.rel @p0 .LBB2_1-.Ltmp3, $4  }
0xe8: {  	[hbm4b:s10+s3] =	stream.linear.scatter [tilespmem:s21], [sflag:$0x5], $0x80, $0x38;
	[tilespmem:$0x1AC80] =	vst v63  }
0xe9: {  	_ =	swait.ge [sflag:s13], $0x80  }
0xea: {  	[sflag:s13] =	ssyncset.done $0x0  }
0xeb: {  	[sflag:s13] =	ssyncadd.s32 $0xFFFFFF80  }
0xec: {  	_ =	sfence.sel $0x180000  }
0xed: {  	[bflag:$0x0] =	sbarrier.arrive $0xFFFF  }
0xee: {  	p0 =	sne.s32 s0, $0x0;
	_ =	strace $0x90000047  }
0xef: {  	s0 =	sadd.s32 @!p0 $0x100000, s1;
	[bflag:$0x2] =	sbarrier.arrive $0xFFFF  }
0xf0: {  	[sflag:s0] =	ssyncadd.tile.s32 @!p0 $0x1;
	_ =	shalt  }
.Lfunc_end2:
_tile_overlayer_lowered:
.L_overlay_start_2:
0xf1: {  	(tag) =	ssettag $0x2  }
0xf2: {  	s0 =	rddreg [dreg:$0x0];
	s2 =	stileid.u32  }
0xf3: {  	s1 =	rddreg [dreg:$0x1];
	p0 =	sne.s32 s2, $0x0  }
0xf4: {  	s3 =	rddreg [dreg:$0x2];
	[bflag:$0x3] =	sbarrier.arrive $0xFFFF;
	s2 =	simm.s32 @!p0 $0x1C05  }
0xf5: {  	[timem:s3], [sflag:s2] =	dma.local @!p0 [hbm:s0], s1  }
0xf6: {  	s0 =	simm.s32 @!p0 $0x5  }
0xf7: {  	_ =	swait.ge @!p0 [sflag:s0], s1  }
0xf8: {  	s1 =	ssub.s32 @!p0 $0x0, s1;
	[sflag:s0] =	ssyncset.done @!p0 $0x0  }
0xf9: {  	[sflag:s0] =	ssyncadd.s32 @!p0 s1  }
0xfa: {  	[bflag:$0x3] =	sbarrier.arrive $0xFFFF  }
0xfb: {  	_ =	shalt  }

</sc_bundles>
